<compile_context>
chip_gen: v7x
topology: tpu7x:2x2x1
jax: 0.10.2.dev20260603
libtpu: 0.0.44.dev20260713+nightly
codegen_flags: <defaults>
</compile_context>

<pallas_src>
import functools
import math

import jax
import jax.numpy as jnp
from jax import lax
from jax.experimental import pallas as pl
from jax.experimental.pallas import tpu as pltpu
from jax.experimental.pallas import tpu_sc as plsc

_D = 128
_S = 200
_B = 1024
_SCALE = math.sqrt(_D)
_LANES = 16

_info = plsc.get_sparse_core_info()
_NC = _info.num_cores
_NS = _info.num_subcores
_NW = _NC * _NS
_ROWS = _B * _S
_RPW = _ROWS // _NW

_CHUNK = 40
_NBUF = 8
_NCH = _RPW // _CHUNK
_POSF = _S // _CHUNK

_mesh = plsc.VectorSubcoreMesh(core_axis_name="c", subcore_axis_name="s")


@functools.partial(
    pl.kernel,
    mesh=_mesh,
    out_type=jax.ShapeDtypeStruct((_ROWS, _D), jnp.float32),
    scratch_types=[
        pltpu.VMEM((_RPW,), jnp.int32),
        pltpu.VMEM((_S, _D), jnp.float32),
        pltpu.VMEM((_NBUF * _CHUNK, _D), jnp.float32),
        pltpu.SemaphoreType.DMA((_NBUF,)),
        pltpu.SemaphoreType.DMA((_NBUF,)),
        pltpu.SemaphoreType.DMA,
    ],
)
def _emb(x_hbm, tok_hbm, pos_hbm, out_hbm, idx_v, pos_v, bufs, gsem, osem,
         psem):
    wid = lax.axis_index("s") * _NC + lax.axis_index("c")
    wbase = wid * _RPW

    pos_cp = pltpu.make_async_copy(pos_hbm.at[pl.ds(0, _S)], pos_v, psem)
    pos_cp.start()
    pltpu.sync_copy(x_hbm.at[pl.ds(wbase, _RPW)], idx_v)

    def gather_start(c, b):
        pltpu.async_copy(
            tok_hbm.at[idx_v.at[pl.ds(c * _CHUNK, _CHUNK)]],
            bufs.at[pl.ds(b * _CHUNK, _CHUNK)],
            gsem.at[b],
        )

    def gather_wait(b):
        pltpu.make_async_copy(
            tok_hbm.at[pl.ds(0, _CHUNK)], bufs.at[pl.ds(0, _CHUNK)], gsem.at[b]
        ).wait()

    def out_start(c, b):
        pltpu.async_copy(
            bufs.at[pl.ds(b * _CHUNK, _CHUNK)],
            out_hbm.at[pl.ds(wbase + c * _CHUNK, _CHUNK)],
            osem.at[b],
        )

    def out_wait(b):
        pltpu.make_async_copy(
            tok_hbm.at[pl.ds(0, _CHUNK)], bufs.at[pl.ds(0, _CHUNK)], osem.at[b]
        ).wait()

    for i in range(_NBUF - 1):
        gather_start(i, i)
    pos_cp.wait()

    def chunk_body(c, carry):
        b = lax.rem(c, _NBUF)
        gather_wait(b)
        pbase = lax.rem(c, _POSF) * _CHUNK

        @plsc.parallel_loop(0, _CHUNK, unroll=4)
        def row_body(r):
            rr = b * _CHUNK + r
            for j in range(_D // _LANES):
                sl = pl.ds(j * _LANES, _LANES)
                bufs[rr, sl] = bufs[rr, sl] * _SCALE + pos_v[pbase + r, sl]

        out_start(c, b)

        @pl.when(c + _NBUF - 1 < _NCH)
        def _prefetch():
            cp = c + _NBUF - 1
            b2 = lax.rem(cp, _NBUF)

            @pl.when(c >= 1)
            def _drain():
                out_wait(b2)

            gather_start(cp, b2)

        return carry

    lax.fori_loop(0, _NCH, chunk_body, 0)
    for b in range(_NBUF):
        out_wait(b)


def kernel(x, token_table, pos_table):
    idx = x.reshape(-1).astype(jnp.int32)
    out = _emb(idx, token_table, pos_table)
    return out.reshape(x.shape[0], x.shape[1], _D)

# --- scband reference (transcript-rebuilt; emitter-appended) ---
"""Pipeline reference for scband-transformer-embedding-85925115724236 (READ-ONLY COPY).

The authoritative reference and input builder live on the scoring server;
editing this copy changes nothing except your own understanding.
"""

import jax, jax.numpy as jnp
import numpy as np
import math

VOCAB = 100000
D_MODEL = 128
MAX_SEQ_LEN = 2048
B = 1024
S = 200

def setup_inputs(seed: int = 0) -> dict:
    key = jax.random.key(seed)
    k1, k2, k3 = jax.random.split(key, 3)
    x = jax.random.randint(k1, (B, S), 0, VOCAB, dtype=jnp.int64 if jax.config.jax_enable_x64 else jnp.int32)
    token_table = jax.random.normal(k2, (VOCAB, D_MODEL), dtype=jnp.float32) * 0.02
    pos_table = jax.random.normal(k3, (MAX_SEQ_LEN, D_MODEL), dtype=jnp.float32) * 0.02
    return {"x": x, "token_table": token_table, "pos_table": pos_table}

def reference(x, token_table, pos_table):
    # TokenEmbedding: lookup * sqrt(d_model)
    tok_emb = jnp.take(token_table, x, axis=0) * math.sqrt(D_MODEL)  # (B, S, D)
    # PositionalEmbedding: lookup over arange(seq_len)
    seq_len = x.shape[1]
    positions = jnp.arange(seq_len)
    pos_emb = jnp.take(pos_table, positions, axis=0)  # (S, D)
    # dropout(p=0.0) is identity in eval/zero-prob mode
    return tok_emb + pos_emb[None, :, :]

if __name__ == "__main__":
    import jax
    _d = setup_inputs()
    print(jax.jit(kernel)(*tuple(_d.values())))

</pallas_src>

<mosaic_0001>
#map = affine_map<(d0, d1) -> (0)>
#map1 = affine_map<(d0, d1) -> (0, 0)>
module attributes {stable_mosaic.version = 14 : i64} {
  func.func @_emb(%arg0: i32, %arg1: i32, %arg2: memref<204800xi32, #tpu.memory_space<hbm>>, %arg3: memref<100000x128xf32, #tpu.memory_space<hbm>>, %arg4: memref<2048x128xf32, #tpu.memory_space<hbm>>, %arg5: memref<204800x128xf32, #tpu.memory_space<hbm>>, %arg6: memref<6400xi32, #tpu.memory_space<vmem>>, %arg7: memref<200x128xf32, #tpu.memory_space<vmem>>, %arg8: memref<320x128xf32, #tpu.memory_space<vmem>>, %arg9: memref<8x!tpu.dma_semaphore, #tpu.memory_space<semaphore_mem>>, %arg10: memref<8x!tpu.dma_semaphore, #tpu.memory_space<semaphore_mem>>, %arg11: memref<!tpu.dma_semaphore, #tpu.memory_space<semaphore_mem>>) attributes {dimension_semantics = [#tpu.dimension_semantics<core_parallel>, #tpu.dimension_semantics<subcore_parallel>], iteration_bounds = array<i64: 2, 16>, scalar_prefetch = 0 : i64, scratch_operands = 6 : i64, tpu.core_type = #tpu.core_type<sc_vector_subcore>, window_params = [{transform_indices = #map}, {transform_indices = #map1}, {transform_indices = #map1}, {transform_indices = #map1}]} {
    %mul3A = arith.constant 2 : i32
    %mul3A_0 = arith.muli %arg1, %mul3A : i32
    %add3A = arith.addi %mul3A_0, %arg0 : i32
    %mul3A_1 = arith.constant 6400 : i32
    %mul3A_2 = arith.muli %add3A, %mul3A_1 : i32
    %dma_start3A = arith.constant 0 : i32
    %dma_start3A_3 = arith.constant 0 : i32
    %dma_start3A_4 = tpu.memref_slice %arg4[%dma_start3A, %dma_start3A_3] : memref<2048x128xf32, #tpu.memory_space<hbm>> -> memref<200x128xf32, #tpu.memory_space<hbm>>
    %dma_start3A_5 = arith.constant 0 : i32
    %dma_start3A_6 = arith.constant 0 : i32
    %dma_start3A_7 = tpu.memref_slice %arg4[%dma_start3A_5, %dma_start3A_6] : memref<2048x128xf32, #tpu.memory_space<hbm>> -> memref<200x128xf32, #tpu.memory_space<hbm>>
    tpu.enqueue_dma source(%dma_start3A_7 : memref<200x128xf32, #tpu.memory_space<hbm>>) target(%arg7 : memref<200x128xf32, #tpu.memory_space<vmem>>) target_semaphore(%arg11 : memref<!tpu.dma_semaphore, #tpu.memory_space<semaphore_mem>>)
    "tpu.region"() ({
      %run_scoped3A = tpu.sem_alloc : memref<!tpu.dma_semaphore, #tpu.memory_space<semaphore_mem>>
      %dma_start3A_215 = tpu.memref_slice %arg2[%mul3A_2] : memref<204800xi32, #tpu.memory_space<hbm>> -> memref<6400xi32, #tpu.memory_space<hbm>>
      %dma_start3A_216 = tpu.memref_slice %arg2[%mul3A_2] : memref<204800xi32, #tpu.memory_space<hbm>> -> memref<6400xi32, #tpu.memory_space<hbm>>
      tpu.enqueue_dma source(%dma_start3A_216 : memref<6400xi32, #tpu.memory_space<hbm>>) target(%arg6 : memref<6400xi32, #tpu.memory_space<vmem>>) target_semaphore(%run_scoped3A : memref<!tpu.dma_semaphore, #tpu.memory_space<semaphore_mem>>)
      %dma_wait3A_217 = tpu.memref_slice %arg2[%mul3A_2] : memref<204800xi32, #tpu.memory_space<hbm>> -> memref<6400xi32, #tpu.memory_space<hbm>>
      %dma_wait3A_218 = tpu.memref_slice %arg2[%mul3A_2] : memref<204800xi32, #tpu.memory_space<hbm>> -> memref<6400xi32, #tpu.memory_space<hbm>>
      tpu.wait_dma2 semaphore(%run_scoped3A : memref<!tpu.dma_semaphore, #tpu.memory_space<semaphore_mem>>) src(%dma_wait3A_218 : memref<6400xi32, #tpu.memory_space<hbm>>) dst(%arg6 : memref<6400xi32, #tpu.memory_space<vmem>>)
      tpu.yield
    }) : () -> ()
    %dma_start3A_8 = arith.constant 0 : i32
    %dma_start3A_9 = arith.constant 0 : i32
    %dma_start3A_10 = arith.constant 0 : i32
    %dma_start3A_11 = tpu.memref_slice %arg8[%dma_start3A_9, %dma_start3A_10] : memref<320x128xf32, #tpu.memory_space<vmem>> -> memref<40x128xf32, #tpu.memory_space<vmem>>
    %dma_start3A_12 = arith.constant 0 : i32
    %dma_start3A_13 = tpu.memref_slice %arg6[%dma_start3A_12] : memref<6400xi32, #tpu.memory_space<vmem>> -> memref<40xi32, #tpu.memory_space<vmem>>
    %dma_start3A_14 = arith.constant 0 : i32
    %dma_start3A_15 = arith.constant 0 : i32
    %dma_start3A_16 = tpu.memref_slice %arg3[%dma_start3A_14, %dma_start3A_15] : memref<100000x128xf32, #tpu.memory_space<hbm>> -> memref<100000x128xf32, #tpu.memory_space<hbm>>
    %dma_start3A_17 = tpu.memref_slice %arg9[%dma_start3A_8] : memref<8x!tpu.dma_semaphore, #tpu.memory_space<semaphore_mem>> -> memref<1x!tpu.dma_semaphore, #tpu.memory_space<semaphore_mem>>
    %dma_start3A_18 = tpu.memref_squeeze %dma_start3A_17 : memref<1x!tpu.dma_semaphore, #tpu.memory_space<semaphore_mem>> -> memref<!tpu.dma_semaphore, #tpu.memory_space<semaphore_mem>>
    tpu.enqueue_indirect_dma source(%dma_start3A_16 : memref<100000x128xf32, #tpu.memory_space<hbm>>) target(%dma_start3A_11 : memref<40x128xf32, #tpu.memory_space<vmem>>) offsets(%dma_start3A_13 : memref<40xi32, #tpu.memory_space<vmem>>) semaphore(%dma_start3A_18 : memref<!tpu.dma_semaphore, #tpu.memory_space<semaphore_mem>>)
    %dma_start3A_19 = arith.constant 1 : i32
    %dma_start3A_20 = arith.constant 40 : i32
    %dma_start3A_21 = arith.constant 0 : i32
    %dma_start3A_22 = tpu.memref_slice %arg8[%dma_start3A_20, %dma_start3A_21] : memref<320x128xf32, #tpu.memory_space<vmem>> -> memref<40x128xf32, #tpu.memory_space<vmem>>
    %dma_start3A_23 = arith.constant 40 : i32
    %dma_start3A_24 = tpu.memref_slice %arg6[%dma_start3A_23] : memref<6400xi32, #tpu.memory_space<vmem>> -> memref<40xi32, #tpu.memory_space<vmem>>
    %dma_start3A_25 = arith.constant 0 : i32
    %dma_start3A_26 = arith.constant 0 : i32
    %dma_start3A_27 = tpu.memref_slice %arg3[%dma_start3A_25, %dma_start3A_26] : memref<100000x128xf32, #tpu.memory_space<hbm>> -> memref<100000x128xf32, #tpu.memory_space<hbm>>
    %dma_start3A_28 = tpu.memref_slice %arg9[%dma_start3A_19] : memref<8x!tpu.dma_semaphore, #tpu.memory_space<semaphore_mem>> -> memref<1x!tpu.dma_semaphore, #tpu.memory_space<semaphore_mem>>
    %dma_start3A_29 = tpu.memref_squeeze %dma_start3A_28 : memref<1x!tpu.dma_semaphore, #tpu.memory_space<semaphore_mem>> -> memref<!tpu.dma_semaphore, #tpu.memory_space<semaphore_mem>>
    tpu.enqueue_indirect_dma source(%dma_start3A_27 : memref<100000x128xf32, #tpu.memory_space<hbm>>) target(%dma_start3A_22 : memref<40x128xf32, #tpu.memory_space<vmem>>) offsets(%dma_start3A_24 : memref<40xi32, #tpu.memory_space<vmem>>) semaphore(%dma_start3A_29 : memref<!tpu.dma_semaphore, #tpu.memory_space<semaphore_mem>>)
    %dma_start3A_30 = arith.constant 2 : i32
    %dma_start3A_31 = arith.constant 80 : i32
    %dma_start3A_32 = arith.constant 0 : i32
    %dma_start3A_33 = tpu.memref_slice %arg8[%dma_start3A_31, %dma_start3A_32] : memref<320x128xf32, #tpu.memory_space<vmem>> -> memref<40x128xf32, #tpu.memory_space<vmem>>
    %dma_start3A_34 = arith.constant 80 : i32
    %dma_start3A_35 = tpu.memref_slice %arg6[%dma_start3A_34] : memref<6400xi32, #tpu.memory_space<vmem>> -> memref<40xi32, #tpu.memory_space<vmem>>
    %dma_start3A_36 = arith.constant 0 : i32
    %dma_start3A_37 = arith.constant 0 : i32
    %dma_start3A_38 = tpu.memref_slice %arg3[%dma_start3A_36, %dma_start3A_37] : memref<100000x128xf32, #tpu.memory_space<hbm>> -> memref<100000x128xf32, #tpu.memory_space<hbm>>
    %dma_start3A_39 = tpu.memref_slice %arg9[%dma_start3A_30] : memref<8x!tpu.dma_semaphore, #tpu.memory_space<semaphore_mem>> -> memref<1x!tpu.dma_semaphore, #tpu.memory_space<semaphore_mem>>
    %dma_start3A_40 = tpu.memref_squeeze %dma_start3A_39 : memref<1x!tpu.dma_semaphore, #tpu.memory_space<semaphore_mem>> -> memref<!tpu.dma_semaphore, #tpu.memory_space<semaphore_mem>>
    tpu.enqueue_indirect_dma source(%dma_start3A_38 : memref<100000x128xf32, #tpu.memory_space<hbm>>) target(%dma_start3A_33 : memref<40x128xf32, #tpu.memory_space<vmem>>) offsets(%dma_start3A_35 : memref<40xi32, #tpu.memory_space<vmem>>) semaphore(%dma_start3A_40 : memref<!tpu.dma_semaphore, #tpu.memory_space<semaphore_mem>>)
    %dma_start3A_41 = arith.constant 3 : i32
    %dma_start3A_42 = arith.constant 120 : i32
    %dma_start3A_43 = arith.constant 0 : i32
    %dma_start3A_44 = tpu.memref_slice %arg8[%dma_start3A_42, %dma_start3A_43] : memref<320x128xf32, #tpu.memory_space<vmem>> -> memref<40x128xf32, #tpu.memory_space<vmem>>
    %dma_start3A_45 = arith.constant 120 : i32
    %dma_start3A_46 = tpu.memref_slice %arg6[%dma_start3A_45] : memref<6400xi32, #tpu.memory_space<vmem>> -> memref<40xi32, #tpu.memory_space<vmem>>
    %dma_start3A_47 = arith.constant 0 : i32
    %dma_start3A_48 = arith.constant 0 : i32
    %dma_start3A_49 = tpu.memref_slice %arg3[%dma_start3A_47, %dma_start3A_48] : memref<100000x128xf32, #tpu.memory_space<hbm>> -> memref<100000x128xf32, #tpu.memory_space<hbm>>
    %dma_start3A_50 = tpu.memref_slice %arg9[%dma_start3A_41] : memref<8x!tpu.dma_semaphore, #tpu.memory_space<semaphore_mem>> -> memref<1x!tpu.dma_semaphore, #tpu.memory_space<semaphore_mem>>
    %dma_start3A_51 = tpu.memref_squeeze %dma_start3A_50 : memref<1x!tpu.dma_semaphore, #tpu.memory_space<semaphore_mem>> -> memref<!tpu.dma_semaphore, #tpu.memory_space<semaphore_mem>>
    tpu.enqueue_indirect_dma source(%dma_start3A_49 : memref<100000x128xf32, #tpu.memory_space<hbm>>) target(%dma_start3A_44 : memref<40x128xf32, #tpu.memory_space<vmem>>) offsets(%dma_start3A_46 : memref<40xi32, #tpu.memory_space<vmem>>) semaphore(%dma_start3A_51 : memref<!tpu.dma_semaphore, #tpu.memory_space<semaphore_mem>>)
    %dma_start3A_52 = arith.constant 4 : i32
    %dma_start3A_53 = arith.constant 160 : i32
    %dma_start3A_54 = arith.constant 0 : i32
    %dma_start3A_55 = tpu.memref_slice %arg8[%dma_start3A_53, %dma_start3A_54] : memref<320x128xf32, #tpu.memory_space<vmem>> -> memref<40x128xf32, #tpu.memory_space<vmem>>
    %dma_start3A_56 = arith.constant 160 : i32
    %dma_start3A_57 = tpu.memref_slice %arg6[%dma_start3A_56] : memref<6400xi32, #tpu.memory_space<vmem>> -> memref<40xi32, #tpu.memory_space<vmem>>
    %dma_start3A_58 = arith.constant 0 : i32
    %dma_start3A_59 = arith.constant 0 : i32
    %dma_start3A_60 = tpu.memref_slice %arg3[%dma_start3A_58, %dma_start3A_59] : memref<100000x128xf32, #tpu.memory_space<hbm>> -> memref<100000x128xf32, #tpu.memory_space<hbm>>
    %dma_start3A_61 = tpu.memref_slice %arg9[%dma_start3A_52] : memref<8x!tpu.dma_semaphore, #tpu.memory_space<semaphore_mem>> -> memref<1x!tpu.dma_semaphore, #tpu.memory_space<semaphore_mem>>
    %dma_start3A_62 = tpu.memref_squeeze %dma_start3A_61 : memref<1x!tpu.dma_semaphore, #tpu.memory_space<semaphore_mem>> -> memref<!tpu.dma_semaphore, #tpu.memory_space<semaphore_mem>>
    tpu.enqueue_indirect_dma source(%dma_start3A_60 : memref<100000x128xf32, #tpu.memory_space<hbm>>) target(%dma_start3A_55 : memref<40x128xf32, #tpu.memory_space<vmem>>) offsets(%dma_start3A_57 : memref<40xi32, #tpu.memory_space<vmem>>) semaphore(%dma_start3A_62 : memref<!tpu.dma_semaphore, #tpu.memory_space<semaphore_mem>>)
    %dma_start3A_63 = arith.constant 5 : i32
    %dma_start3A_64 = arith.constant 200 : i32
    %dma_start3A_65 = arith.constant 0 : i32
    %dma_start3A_66 = tpu.memref_slice %arg8[%dma_start3A_64, %dma_start3A_65] : memref<320x128xf32, #tpu.memory_space<vmem>> -> memref<40x128xf32, #tpu.memory_space<vmem>>
    %dma_start3A_67 = arith.constant 200 : i32
    %dma_start3A_68 = tpu.memref_slice %arg6[%dma_start3A_67] : memref<6400xi32, #tpu.memory_space<vmem>> -> memref<40xi32, #tpu.memory_space<vmem>>
    %dma_start3A_69 = arith.constant 0 : i32
    %dma_start3A_70 = arith.constant 0 : i32
    %dma_start3A_71 = tpu.memref_slice %arg3[%dma_start3A_69, %dma_start3A_70] : memref<100000x128xf32, #tpu.memory_space<hbm>> -> memref<100000x128xf32, #tpu.memory_space<hbm>>
    %dma_start3A_72 = tpu.memref_slice %arg9[%dma_start3A_63] : memref<8x!tpu.dma_semaphore, #tpu.memory_space<semaphore_mem>> -> memref<1x!tpu.dma_semaphore, #tpu.memory_space<semaphore_mem>>
    %dma_start3A_73 = tpu.memref_squeeze %dma_start3A_72 : memref<1x!tpu.dma_semaphore, #tpu.memory_space<semaphore_mem>> -> memref<!tpu.dma_semaphore, #tpu.memory_space<semaphore_mem>>
    tpu.enqueue_indirect_dma source(%dma_start3A_71 : memref<100000x128xf32, #tpu.memory_space<hbm>>) target(%dma_start3A_66 : memref<40x128xf32, #tpu.memory_space<vmem>>) offsets(%dma_start3A_68 : memref<40xi32, #tpu.memory_space<vmem>>) semaphore(%dma_start3A_73 : memref<!tpu.dma_semaphore, #tpu.memory_space<semaphore_mem>>)
    %dma_start3A_74 = arith.constant 6 : i32
    %dma_start3A_75 = arith.constant 240 : i32
    %dma_start3A_76 = arith.constant 0 : i32
    %dma_start3A_77 = tpu.memref_slice %arg8[%dma_start3A_75, %dma_start3A_76] : memref<320x128xf32, #tpu.memory_space<vmem>> -> memref<40x128xf32, #tpu.memory_space<vmem>>
    %dma_start3A_78 = arith.constant 240 : i32
    %dma_start3A_79 = tpu.memref_slice %arg6[%dma_start3A_78] : memref<6400xi32, #tpu.memory_space<vmem>> -> memref<40xi32, #tpu.memory_space<vmem>>
    %dma_start3A_80 = arith.constant 0 : i32
    %dma_start3A_81 = arith.constant 0 : i32
    %dma_start3A_82 = tpu.memref_slice %arg3[%dma_start3A_80, %dma_start3A_81] : memref<100000x128xf32, #tpu.memory_space<hbm>> -> memref<100000x128xf32, #tpu.memory_space<hbm>>
    %dma_start3A_83 = tpu.memref_slice %arg9[%dma_start3A_74] : memref<8x!tpu.dma_semaphore, #tpu.memory_space<semaphore_mem>> -> memref<1x!tpu.dma_semaphore, #tpu.memory_space<semaphore_mem>>
    %dma_start3A_84 = tpu.memref_squeeze %dma_start3A_83 : memref<1x!tpu.dma_semaphore, #tpu.memory_space<semaphore_mem>> -> memref<!tpu.dma_semaphore, #tpu.memory_space<semaphore_mem>>
    tpu.enqueue_indirect_dma source(%dma_start3A_82 : memref<100000x128xf32, #tpu.memory_space<hbm>>) target(%dma_start3A_77 : memref<40x128xf32, #tpu.memory_space<vmem>>) offsets(%dma_start3A_79 : memref<40xi32, #tpu.memory_space<vmem>>) semaphore(%dma_start3A_84 : memref<!tpu.dma_semaphore, #tpu.memory_space<semaphore_mem>>)
    %dma_wait3A = arith.constant 0 : i32
    %dma_wait3A_85 = arith.constant 0 : i32
    %dma_wait3A_86 = tpu.memref_slice %arg4[%dma_wait3A, %dma_wait3A_85] : memref<2048x128xf32, #tpu.memory_space<hbm>> -> memref<200x128xf32, #tpu.memory_space<hbm>>
    %dma_wait3A_87 = arith.constant 0 : i32
    %dma_wait3A_88 = arith.constant 0 : i32
    %dma_wait3A_89 = tpu.memref_slice %arg4[%dma_wait3A_87, %dma_wait3A_88] : memref<2048x128xf32, #tpu.memory_space<hbm>> -> memref<200x128xf32, #tpu.memory_space<hbm>>
    tpu.wait_dma2 semaphore(%arg11 : memref<!tpu.dma_semaphore, #tpu.memory_space<semaphore_mem>>) src(%dma_wait3A_89 : memref<200x128xf32, #tpu.memory_space<hbm>>) dst(%arg7 : memref<200x128xf32, #tpu.memory_space<vmem>>)
    %scan3A = arith.constant 0 : i32
    %scan3A_90 = arith.constant 0 : i32
    %scan3A_91 = arith.constant 160 : i32
    %scan3A_92 = arith.addi %scan3A_90, %scan3A_91 : i32
    %scan3A_93 = arith.constant 1 : i32
    scf.for %scan3A_215 = %scan3A_90 to %scan3A_92 step %scan3A_93  : i32 {
      %rem3A = arith.constant 8 : i32
      %rem3A_216 = arith.remsi %scan3A_215, %rem3A : i32
      %dma_wait3A_217 = arith.constant 0 : i32
      %dma_wait3A_218 = arith.constant 0 : i32
      %dma_wait3A_219 = tpu.memref_slice %arg8[%dma_wait3A_217, %dma_wait3A_218] : memref<320x128xf32, #tpu.memory_space<vmem>> -> memref<40x128xf32, #tpu.memory_space<vmem>>
      %dma_wait3A_220 = arith.constant 0 : i32
      %dma_wait3A_221 = arith.constant 0 : i32
      %dma_wait3A_222 = tpu.memref_slice %arg3[%dma_wait3A_220, %dma_wait3A_221] : memref<100000x128xf32, #tpu.memory_space<hbm>> -> memref<40x128xf32, #tpu.memory_space<hbm>>
      %dma_wait3A_223 = tpu.memref_slice %arg9[%rem3A_216] : memref<8x!tpu.dma_semaphore, #tpu.memory_space<semaphore_mem>> -> memref<1x!tpu.dma_semaphore, #tpu.memory_space<semaphore_mem>>
      %dma_wait3A_224 = tpu.memref_squeeze %dma_wait3A_223 : memref<1x!tpu.dma_semaphore, #tpu.memory_space<semaphore_mem>> -> memref<!tpu.dma_semaphore, #tpu.memory_space<semaphore_mem>>
      %dma_wait3A_225 = arith.constant 0 : i32
      %dma_wait3A_226 = arith.constant 0 : i32
      %dma_wait3A_227 = tpu.memref_slice %arg8[%dma_wait3A_225, %dma_wait3A_226] : memref<320x128xf32, #tpu.memory_space<vmem>> -> memref<40x128xf32, #tpu.memory_space<vmem>>
      %dma_wait3A_228 = arith.constant 0 : i32
      %dma_wait3A_229 = arith.constant 0 : i32
      %dma_wait3A_230 = tpu.memref_slice %arg3[%dma_wait3A_228, %dma_wait3A_229] : memref<100000x128xf32, #tpu.memory_space<hbm>> -> memref<40x128xf32, #tpu.memory_space<hbm>>
      tpu.wait_dma2 semaphore(%dma_wait3A_224 : memref<!tpu.dma_semaphore, #tpu.memory_space<semaphore_mem>>) src(%dma_wait3A_230 : memref<40x128xf32, #tpu.memory_space<hbm>>) dst(%dma_wait3A_227 : memref<40x128xf32, #tpu.memory_space<vmem>>)
      %rem3A_231 = arith.constant 5 : i32
      %rem3A_232 = arith.remsi %scan3A_215, %rem3A_231 : i32
      %mul3A_233 = arith.constant 40 : i32
      %mul3A_234 = arith.muli %rem3A_232, %mul3A_233 : i32
      %parallel_loop3A = arith.constant 0 : i32
      %parallel_loop3A_235 = arith.constant 40 : i32
      %parallel_loop3A_236 = arith.constant 1 : i32
      scf.for %parallel_loop3A_257 = %parallel_loop3A to %parallel_loop3A_235 step %parallel_loop3A_236  : i32 {
        %parallel_loop3A_258 = arith.constant 40 : i32
        %parallel_loop3A_259 = arith.muli %rem3A_216, %parallel_loop3A_258 : i32
        %parallel_loop3A_260 = arith.addi %parallel_loop3A_259, %parallel_loop3A_257 : i32
        %parallel_loop3A_261 = arith.index_cast %parallel_loop3A_260 : i32 to index
        %parallel_loop3A_262 = arith.constant 0 : index
        %parallel_loop3A_263 = tpu.vector_load %arg8[%parallel_loop3A_261, %parallel_loop3A_262] {strides = array<i32>} : memref<320x128xf32, #tpu.memory_space<vmem>>, vector<1x16xf32>,
        %parallel_loop3A_264 = vector.shape_cast %parallel_loop3A_263 : vector<1x16xf32> to vector<16xf32>
        %parallel_loop3A_265 = arith.constant 11.3137083 : f32
        %parallel_loop3A_266 = vector.broadcast %parallel_loop3A_265 : f32 to vector<16xf32>
        %parallel_loop3A_267 = arith.mulf %parallel_loop3A_264, %parallel_loop3A_266 : vector<16xf32>
        %parallel_loop3A_268 = arith.addi %mul3A_234, %parallel_loop3A_257 : i32
        %parallel_loop3A_269 = arith.index_cast %parallel_loop3A_268 : i32 to index
        %parallel_loop3A_270 = arith.constant 0 : index
        %parallel_loop3A_271 = tpu.vector_load %arg7[%parallel_loop3A_269, %parallel_loop3A_270] {strides = array<i32>} : memref<200x128xf32, #tpu.memory_space<vmem>>, vector<1x16xf32>,
        %parallel_loop3A_272 = vector.shape_cast %parallel_loop3A_271 : vector<1x16xf32> to vector<16xf32>
        %parallel_loop3A_273 = arith.addf %parallel_loop3A_267, %parallel_loop3A_272 : vector<16xf32>
        %parallel_loop3A_274 = arith.index_cast %parallel_loop3A_260 : i32 to index
        %parallel_loop3A_275 = arith.constant 0 : index
        %parallel_loop3A_276 = tpu.vector_load %arg8[%parallel_loop3A_274, %parallel_loop3A_275] {strides = array<i32>} : memref<320x128xf32, #tpu.memory_space<vmem>>, vector<1x16xf32>,
        %parallel_loop3A_277 = vector.shape_cast %parallel_loop3A_276 : vector<1x16xf32> to vector<16xf32>
        %parallel_loop3A_278 = vector.shape_cast %parallel_loop3A_273 : vector<16xf32> to vector<1x16xf32>
        tpu.vector_store %arg8[%parallel_loop3A_274, %parallel_loop3A_275], %parallel_loop3A_278 {strides = array<i32>} : memref<320x128xf32, #tpu.memory_space<vmem>>, vector<1x16xf32>,
        %parallel_loop3A_279 = arith.index_cast %parallel_loop3A_260 : i32 to index
        %parallel_loop3A_280 = arith.constant 16 : index
        %parallel_loop3A_281 = tpu.vector_load %arg8[%parallel_loop3A_279, %parallel_loop3A_280] {strides = array<i32>} : memref<320x128xf32, #tpu.memory_space<vmem>>, vector<1x16xf32>,
        %parallel_loop3A_282 = vector.shape_cast %parallel_loop3A_281 : vector<1x16xf32> to vector<16xf32>
        %parallel_loop3A_283 = arith.constant 11.3137083 : f32
        %parallel_loop3A_284 = vector.broadcast %parallel_loop3A_283 : f32 to vector<16xf32>
        %parallel_loop3A_285 = arith.mulf %parallel_loop3A_282, %parallel_loop3A_284 : vector<16xf32>
        %parallel_loop3A_286 = arith.addi %mul3A_234, %parallel_loop3A_257 : i32
        %parallel_loop3A_287 = arith.index_cast %parallel_loop3A_286 : i32 to index
        %parallel_loop3A_288 = arith.constant 16 : index
        %parallel_loop3A_289 = tpu.vector_load %arg7[%parallel_loop3A_287, %parallel_loop3A_288] {strides = array<i32>} : memref<200x128xf32, #tpu.memory_space<vmem>>, vector<1x16xf32>,
        %parallel_loop3A_290 = vector.shape_cast %parallel_loop3A_289 : vector<1x16xf32> to vector<16xf32>
        %parallel_loop3A_291 = arith.addf %parallel_loop3A_285, %parallel_loop3A_290 : vector<16xf32>
        %parallel_loop3A_292 = arith.index_cast %parallel_loop3A_260 : i32 to index
        %parallel_loop3A_293 = arith.constant 16 : index
        %parallel_loop3A_294 = tpu.vector_load %arg8[%parallel_loop3A_292, %parallel_loop3A_293] {strides = array<i32>} : memref<320x128xf32, #tpu.memory_space<vmem>>, vector<1x16xf32>,
        %parallel_loop3A_295 = vector.shape_cast %parallel_loop3A_294 : vector<1x16xf32> to vector<16xf32>
        %parallel_loop3A_296 = vector.shape_cast %parallel_loop3A_291 : vector<16xf32> to vector<1x16xf32>
        tpu.vector_store %arg8[%parallel_loop3A_292, %parallel_loop3A_293], %parallel_loop3A_296 {strides = array<i32>} : memref<320x128xf32, #tpu.memory_space<vmem>>, vector<1x16xf32>,
        %parallel_loop3A_297 = arith.index_cast %parallel_loop3A_260 : i32 to index
        %parallel_loop3A_298 = arith.constant 32 : index
        %parallel_loop3A_299 = tpu.vector_load %arg8[%parallel_loop3A_297, %parallel_loop3A_298] {strides = array<i32>} : memref<320x128xf32, #tpu.memory_space<vmem>>, vector<1x16xf32>,
        %parallel_loop3A_300 = vector.shape_cast %parallel_loop3A_299 : vector<1x16xf32> to vector<16xf32>
        %parallel_loop3A_301 = arith.constant 11.3137083 : f32
        %parallel_loop3A_302 = vector.broadcast %parallel_loop3A_301 : f32 to vector<16xf32>
        %parallel_loop3A_303 = arith.mulf %parallel_loop3A_300, %parallel_loop3A_302 : vector<16xf32>
        %parallel_loop3A_304 = arith.addi %mul3A_234, %parallel_loop3A_257 : i32
        %parallel_loop3A_305 = arith.index_cast %parallel_loop3A_304 : i32 to index
        %parallel_loop3A_306 = arith.constant 32 : index
        %parallel_loop3A_307 = tpu.vector_load %arg7[%parallel_loop3A_305, %parallel_loop3A_306] {strides = array<i32>} : memref<200x128xf32, #tpu.memory_space<vmem>>, vector<1x16xf32>,
        %parallel_loop3A_308 = vector.shape_cast %parallel_loop3A_307 : vector<1x16xf32> to vector<16xf32>
        %parallel_loop3A_309 = arith.addf %parallel_loop3A_303, %parallel_loop3A_308 : vector<16xf32>
        %parallel_loop3A_310 = arith.index_cast %parallel_loop3A_260 : i32 to index
        %parallel_loop3A_311 = arith.constant 32 : index
        %parallel_loop3A_312 = tpu.vector_load %arg8[%parallel_loop3A_310, %parallel_loop3A_311] {strides = array<i32>} : memref<320x128xf32, #tpu.memory_space<vmem>>, vector<1x16xf32>,
        %parallel_loop3A_313 = vector.shape_cast %parallel_loop3A_312 : vector<1x16xf32> to vector<16xf32>
        %parallel_loop3A_314 = vector.shape_cast %parallel_loop3A_309 : vector<16xf32> to vector<1x16xf32>
        tpu.vector_store %arg8[%parallel_loop3A_310, %parallel_loop3A_311], %parallel_loop3A_314 {strides = array<i32>} : memref<320x128xf32, #tpu.memory_space<vmem>>, vector<1x16xf32>,
        %parallel_loop3A_315 = arith.index_cast %parallel_loop3A_260 : i32 to index
        %parallel_loop3A_316 = arith.constant 48 : index
        %parallel_loop3A_317 = tpu.vector_load %arg8[%parallel_loop3A_315, %parallel_loop3A_316] {strides = array<i32>} : memref<320x128xf32, #tpu.memory_space<vmem>>, vector<1x16xf32>,
        %parallel_loop3A_318 = vector.shape_cast %parallel_loop3A_317 : vector<1x16xf32> to vector<16xf32>
        %parallel_loop3A_319 = arith.constant 11.3137083 : f32
        %parallel_loop3A_320 = vector.broadcast %parallel_loop3A_319 : f32 to vector<16xf32>
        %parallel_loop3A_321 = arith.mulf %parallel_loop3A_318, %parallel_loop3A_320 : vector<16xf32>
        %parallel_loop3A_322 = arith.addi %mul3A_234, %parallel_loop3A_257 : i32
        %parallel_loop3A_323 = arith.index_cast %parallel_loop3A_322 : i32 to index
        %parallel_loop3A_324 = arith.constant 48 : index
        %parallel_loop3A_325 = tpu.vector_load %arg7[%parallel_loop3A_323, %parallel_loop3A_324] {strides = array<i32>} : memref<200x128xf32, #tpu.memory_space<vmem>>, vector<1x16xf32>,
        %parallel_loop3A_326 = vector.shape_cast %parallel_loop3A_325 : vector<1x16xf32> to vector<16xf32>
        %parallel_loop3A_327 = arith.addf %parallel_loop3A_321, %parallel_loop3A_326 : vector<16xf32>
        %parallel_loop3A_328 = arith.index_cast %parallel_loop3A_260 : i32 to index
        %parallel_loop3A_329 = arith.constant 48 : index
        %parallel_loop3A_330 = tpu.vector_load %arg8[%parallel_loop3A_328, %parallel_loop3A_329] {strides = array<i32>} : memref<320x128xf32, #tpu.memory_space<vmem>>, vector<1x16xf32>,
        %parallel_loop3A_331 = vector.shape_cast %parallel_loop3A_330 : vector<1x16xf32> to vector<16xf32>
        %parallel_loop3A_332 = vector.shape_cast %parallel_loop3A_327 : vector<16xf32> to vector<1x16xf32>
        tpu.vector_store %arg8[%parallel_loop3A_328, %parallel_loop3A_329], %parallel_loop3A_332 {strides = array<i32>} : memref<320x128xf32, #tpu.memory_space<vmem>>, vector<1x16xf32>,
        %parallel_loop3A_333 = arith.index_cast %parallel_loop3A_260 : i32 to index
        %parallel_loop3A_334 = arith.constant 64 : index
        %parallel_loop3A_335 = tpu.vector_load %arg8[%parallel_loop3A_333, %parallel_loop3A_334] {strides = array<i32>} : memref<320x128xf32, #tpu.memory_space<vmem>>, vector<1x16xf32>,
        %parallel_loop3A_336 = vector.shape_cast %parallel_loop3A_335 : vector<1x16xf32> to vector<16xf32>
        %parallel_loop3A_337 = arith.constant 11.3137083 : f32
        %parallel_loop3A_338 = vector.broadcast %parallel_loop3A_337 : f32 to vector<16xf32>
        %parallel_loop3A_339 = arith.mulf %parallel_loop3A_336, %parallel_loop3A_338 : vector<16xf32>
        %parallel_loop3A_340 = arith.addi %mul3A_234, %parallel_loop3A_257 : i32
        %parallel_loop3A_341 = arith.index_cast %parallel_loop3A_340 : i32 to index
        %parallel_loop3A_342 = arith.constant 64 : index
        %parallel_loop3A_343 = tpu.vector_load %arg7[%parallel_loop3A_341, %parallel_loop3A_342] {strides = array<i32>} : memref<200x128xf32, #tpu.memory_space<vmem>>, vector<1x16xf32>,
        %parallel_loop3A_344 = vector.shape_cast %parallel_loop3A_343 : vector<1x16xf32> to vector<16xf32>
        %parallel_loop3A_345 = arith.addf %parallel_loop3A_339, %parallel_loop3A_344 : vector<16xf32>
        %parallel_loop3A_346 = arith.index_cast %parallel_loop3A_260 : i32 to index
        %parallel_loop3A_347 = arith.constant 64 : index
        %parallel_loop3A_348 = tpu.vector_load %arg8[%parallel_loop3A_346, %parallel_loop3A_347] {strides = array<i32>} : memref<320x128xf32, #tpu.memory_space<vmem>>, vector<1x16xf32>,
        %parallel_loop3A_349 = vector.shape_cast %parallel_loop3A_348 : vector<1x16xf32> to vector<16xf32>
        %parallel_loop3A_350 = vector.shape_cast %parallel_loop3A_345 : vector<16xf32> to vector<1x16xf32>
        tpu.vector_store %arg8[%parallel_loop3A_346, %parallel_loop3A_347], %parallel_loop3A_350 {strides = array<i32>} : memref<320x128xf32, #tpu.memory_space<vmem>>, vector<1x16xf32>,
        %parallel_loop3A_351 = arith.index_cast %parallel_loop3A_260 : i32 to index
        %parallel_loop3A_352 = arith.constant 80 : index
        %parallel_loop3A_353 = tpu.vector_load %arg8[%parallel_loop3A_351, %parallel_loop3A_352] {strides = array<i32>} : memref<320x128xf32, #tpu.memory_space<vmem>>, vector<1x16xf32>,
        %parallel_loop3A_354 = vector.shape_cast %parallel_loop3A_353 : vector<1x16xf32> to vector<16xf32>
        %parallel_loop3A_355 = arith.constant 11.3137083 : f32
        %parallel_loop3A_356 = vector.broadcast %parallel_loop3A_355 : f32 to vector<16xf32>
        %parallel_loop3A_357 = arith.mulf %parallel_loop3A_354, %parallel_loop3A_356 : vector<16xf32>
        %parallel_loop3A_358 = arith.addi %mul3A_234, %parallel_loop3A_257 : i32
        %parallel_loop3A_359 = arith.index_cast %parallel_loop3A_358 : i32 to index
        %parallel_loop3A_360 = arith.constant 80 : index
        %parallel_loop3A_361 = tpu.vector_load %arg7[%parallel_loop3A_359, %parallel_loop3A_360] {strides = array<i32>} : memref<200x128xf32, #tpu.memory_space<vmem>>, vector<1x16xf32>,
        %parallel_loop3A_362 = vector.shape_cast %parallel_loop3A_361 : vector<1x16xf32> to vector<16xf32>
        %parallel_loop3A_363 = arith.addf %parallel_loop3A_357, %parallel_loop3A_362 : vector<16xf32>
        %parallel_loop3A_364 = arith.index_cast %parallel_loop3A_260 : i32 to index
        %parallel_loop3A_365 = arith.constant 80 : index
        %parallel_loop3A_366 = tpu.vector_load %arg8[%parallel_loop3A_364, %parallel_loop3A_365] {strides = array<i32>} : memref<320x128xf32, #tpu.memory_space<vmem>>, vector<1x16xf32>,
        %parallel_loop3A_367 = vector.shape_cast %parallel_loop3A_366 : vector<1x16xf32> to vector<16xf32>
        %parallel_loop3A_368 = vector.shape_cast %parallel_loop3A_363 : vector<16xf32> to vector<1x16xf32>
        tpu.vector_store %arg8[%parallel_loop3A_364, %parallel_loop3A_365], %parallel_loop3A_368 {strides = array<i32>} : memref<320x128xf32, #tpu.memory_space<vmem>>, vector<1x16xf32>,
        %parallel_loop3A_369 = arith.index_cast %parallel_loop3A_260 : i32 to index
        %parallel_loop3A_370 = arith.constant 96 : index
        %parallel_loop3A_371 = tpu.vector_load %arg8[%parallel_loop3A_369, %parallel_loop3A_370] {strides = array<i32>} : memref<320x128xf32, #tpu.memory_space<vmem>>, vector<1x16xf32>,
        %parallel_loop3A_372 = vector.shape_cast %parallel_loop3A_371 : vector<1x16xf32> to vector<16xf32>
        %parallel_loop3A_373 = arith.constant 11.3137083 : f32
        %parallel_loop3A_374 = vector.broadcast %parallel_loop3A_373 : f32 to vector<16xf32>
        %parallel_loop3A_375 = arith.mulf %parallel_loop3A_372, %parallel_loop3A_374 : vector<16xf32>
        %parallel_loop3A_376 = arith.addi %mul3A_234, %parallel_loop3A_257 : i32
        %parallel_loop3A_377 = arith.index_cast %parallel_loop3A_376 : i32 to index
        %parallel_loop3A_378 = arith.constant 96 : index
        %parallel_loop3A_379 = tpu.vector_load %arg7[%parallel_loop3A_377, %parallel_loop3A_378] {strides = array<i32>} : memref<200x128xf32, #tpu.memory_space<vmem>>, vector<1x16xf32>,
        %parallel_loop3A_380 = vector.shape_cast %parallel_loop3A_379 : vector<1x16xf32> to vector<16xf32>
        %parallel_loop3A_381 = arith.addf %parallel_loop3A_375, %parallel_loop3A_380 : vector<16xf32>
        %parallel_loop3A_382 = arith.index_cast %parallel_loop3A_260 : i32 to index
        %parallel_loop3A_383 = arith.constant 96 : index
        %parallel_loop3A_384 = tpu.vector_load %arg8[%parallel_loop3A_382, %parallel_loop3A_383] {strides = array<i32>} : memref<320x128xf32, #tpu.memory_space<vmem>>, vector<1x16xf32>,
        %parallel_loop3A_385 = vector.shape_cast %parallel_loop3A_384 : vector<1x16xf32> to vector<16xf32>
        %parallel_loop3A_386 = vector.shape_cast %parallel_loop3A_381 : vector<16xf32> to vector<1x16xf32>
        tpu.vector_store %arg8[%parallel_loop3A_382, %parallel_loop3A_383], %parallel_loop3A_386 {strides = array<i32>} : memref<320x128xf32, #tpu.memory_space<vmem>>, vector<1x16xf32>,
        %parallel_loop3A_387 = arith.index_cast %parallel_loop3A_260 : i32 to index
        %parallel_loop3A_388 = arith.constant 112 : index
        %parallel_loop3A_389 = tpu.vector_load %arg8[%parallel_loop3A_387, %parallel_loop3A_388] {strides = array<i32>} : memref<320x128xf32, #tpu.memory_space<vmem>>, vector<1x16xf32>,
        %parallel_loop3A_390 = vector.shape_cast %parallel_loop3A_389 : vector<1x16xf32> to vector<16xf32>
        %parallel_loop3A_391 = arith.constant 11.3137083 : f32
        %parallel_loop3A_392 = vector.broadcast %parallel_loop3A_391 : f32 to vector<16xf32>
        %parallel_loop3A_393 = arith.mulf %parallel_loop3A_390, %parallel_loop3A_392 : vector<16xf32>
        %parallel_loop3A_394 = arith.addi %mul3A_234, %parallel_loop3A_257 : i32
        %parallel_loop3A_395 = arith.index_cast %parallel_loop3A_394 : i32 to index
        %parallel_loop3A_396 = arith.constant 112 : index
        %parallel_loop3A_397 = tpu.vector_load %arg7[%parallel_loop3A_395, %parallel_loop3A_396] {strides = array<i32>} : memref<200x128xf32, #tpu.memory_space<vmem>>, vector<1x16xf32>,
        %parallel_loop3A_398 = vector.shape_cast %parallel_loop3A_397 : vector<1x16xf32> to vector<16xf32>
        %parallel_loop3A_399 = arith.addf %parallel_loop3A_393, %parallel_loop3A_398 : vector<16xf32>
        %parallel_loop3A_400 = arith.index_cast %parallel_loop3A_260 : i32 to index
        %parallel_loop3A_401 = arith.constant 112 : index
        %parallel_loop3A_402 = tpu.vector_load %arg8[%parallel_loop3A_400, %parallel_loop3A_401] {strides = array<i32>} : memref<320x128xf32, #tpu.memory_space<vmem>>, vector<1x16xf32>,
        %parallel_loop3A_403 = vector.shape_cast %parallel_loop3A_402 : vector<1x16xf32> to vector<16xf32>
        %parallel_loop3A_404 = vector.shape_cast %parallel_loop3A_399 : vector<16xf32> to vector<1x16xf32>
        tpu.vector_store %arg8[%parallel_loop3A_400, %parallel_loop3A_401], %parallel_loop3A_404 {strides = array<i32>} : memref<320x128xf32, #tpu.memory_space<vmem>>, vector<1x16xf32>,
      } {sc.loop_unroll_factor = 4 : i64, sc.parallel_access}
      %mul3A_237 = arith.constant 40 : i32
      %mul3A_238 = arith.muli %rem3A_216, %mul3A_237 : i32
      %mul3A_239 = arith.constant 40 : i32
      %mul3A_240 = arith.muli %scan3A_215, %mul3A_239 : i32
      %add3A_241 = arith.addi %mul3A_2, %mul3A_240 : i32
      %dma_start3A_242 = arith.constant 0 : i32
      %dma_start3A_243 = tpu.memref_slice %arg8[%mul3A_238, %dma_start3A_242] : memref<320x128xf32, #tpu.memory_space<vmem>> -> memref<40x128xf32, #tpu.memory_space<vmem>>
      %dma_start3A_244 = arith.constant 0 : i32
      %dma_start3A_245 = tpu.memref_slice %arg5[%add3A_241, %dma_start3A_244] : memref<204800x128xf32, #tpu.memory_space<hbm>> -> memref<40x128xf32, #tpu.memory_space<hbm>>
      %dma_start3A_246 = tpu.memref_slice %arg10[%rem3A_216] : memref<8x!tpu.dma_semaphore, #tpu.memory_space<semaphore_mem>> -> memref<1x!tpu.dma_semaphore, #tpu.memory_space<semaphore_mem>>
      %dma_start3A_247 = tpu.memref_squeeze %dma_start3A_246 : memref<1x!tpu.dma_semaphore, #tpu.memory_space<semaphore_mem>> -> memref<!tpu.dma_semaphore, #tpu.memory_space<semaphore_mem>>
      %dma_start3A_248 = arith.constant 0 : i32
      %dma_start3A_249 = tpu.memref_slice %arg5[%add3A_241, %dma_start3A_248] : memref<204800x128xf32, #tpu.memory_space<hbm>> -> memref<40x128xf32, #tpu.memory_space<hbm>>
      %dma_start3A_250 = arith.constant 0 : i32
      %dma_start3A_251 = tpu.memref_slice %arg8[%mul3A_238, %dma_start3A_250] : memref<320x128xf32, #tpu.memory_space<vmem>> -> memref<40x128xf32, #tpu.memory_space<vmem>>
      tpu.enqueue_dma source(%dma_start3A_251 : memref<40x128xf32, #tpu.memory_space<vmem>>) target(%dma_start3A_249 : memref<40x128xf32, #tpu.memory_space<hbm>>) target_semaphore(%dma_start3A_247 : memref<!tpu.dma_semaphore, #tpu.memory_space<semaphore_mem>>)
      %add3A_252 = arith.constant 8 : i32
      %add3A_253 = arith.addi %scan3A_215, %add3A_252 : i32
      %sub3A = arith.constant 1 : i32
      %sub3A_254 = arith.subi %add3A_253, %sub3A : i32
      %lt3A = arith.constant 160 : i32
      %lt3A_255 = arith.cmpi slt, %sub3A_254, %lt3A : i32
      %convert_element_type3A = arith.extui %lt3A_255 : i1 to i32
      %cond3A = arith.constant 0 : i32
      %cond3A_256 = arith.cmpi ne, %convert_element_type3A, %cond3A : i32
      scf.if %cond3A_256 {
        %add3A_257 = arith.constant 8 : i32
        %add3A_258 = arith.addi %scan3A_215, %add3A_257 : i32
        %sub3A_259 = arith.constant 1 : i32
        %sub3A_260 = arith.subi %add3A_258, %sub3A_259 : i32
        %rem3A_261 = arith.constant 8 : i32
        %rem3A_262 = arith.remsi %sub3A_260, %rem3A_261 : i32
        %ge3A = arith.constant 1 : i32
        %ge3A_263 = arith.cmpi sge, %scan3A_215, %ge3A : i32
        %convert_element_type3A_264 = arith.extui %ge3A_263 : i1 to i32
        %cond3A_265 = arith.constant 0 : i32
        %cond3A_266 = arith.cmpi ne, %convert_element_type3A_264, %cond3A_265 : i32
        scf.if %cond3A_266 {
          %dma_wait3A_279 = arith.constant 0 : i32
          %dma_wait3A_280 = arith.constant 0 : i32
          %dma_wait3A_281 = tpu.memref_slice %arg8[%dma_wait3A_279, %dma_wait3A_280] : memref<320x128xf32, #tpu.memory_space<vmem>> -> memref<40x128xf32, #tpu.memory_space<vmem>>
          %dma_wait3A_282 = arith.constant 0 : i32
          %dma_wait3A_283 = arith.constant 0 : i32
          %dma_wait3A_284 = tpu.memref_slice %arg3[%dma_wait3A_282, %dma_wait3A_283] : memref<100000x128xf32, #tpu.memory_space<hbm>> -> memref<40x128xf32, #tpu.memory_space<hbm>>
          %dma_wait3A_285 = tpu.memref_slice %arg10[%rem3A_262] : memref<8x!tpu.dma_semaphore, #tpu.memory_space<semaphore_mem>> -> memref<1x!tpu.dma_semaphore, #tpu.memory_space<semaphore_mem>>
          %dma_wait3A_286 = tpu.memref_squeeze %dma_wait3A_285 : memref<1x!tpu.dma_semaphore, #tpu.memory_space<semaphore_mem>> -> memref<!tpu.dma_semaphore, #tpu.memory_space<semaphore_mem>>
          %dma_wait3A_287 = arith.constant 0 : i32
          %dma_wait3A_288 = arith.constant 0 : i32
          %dma_wait3A_289 = tpu.memref_slice %arg8[%dma_wait3A_287, %dma_wait3A_288] : memref<320x128xf32, #tpu.memory_space<vmem>> -> memref<40x128xf32, #tpu.memory_space<vmem>>
          %dma_wait3A_290 = arith.constant 0 : i32
          %dma_wait3A_291 = arith.constant 0 : i32
          %dma_wait3A_292 = tpu.memref_slice %arg3[%dma_wait3A_290, %dma_wait3A_291] : memref<100000x128xf32, #tpu.memory_space<hbm>> -> memref<40x128xf32, #tpu.memory_space<hbm>>
          tpu.wait_dma2 semaphore(%dma_wait3A_286 : memref<!tpu.dma_semaphore, #tpu.memory_space<semaphore_mem>>) src(%dma_wait3A_292 : memref<40x128xf32, #tpu.memory_space<hbm>>) dst(%dma_wait3A_289 : memref<40x128xf32, #tpu.memory_space<vmem>>)
        } else {
        }
        %mul3A_267 = arith.constant 40 : i32
        %mul3A_268 = arith.muli %sub3A_260, %mul3A_267 : i32
        %mul3A_269 = arith.constant 40 : i32
        %mul3A_270 = arith.muli %rem3A_262, %mul3A_269 : i32
        %dma_start3A_271 = arith.constant 0 : i32
        %dma_start3A_272 = tpu.memref_slice %arg8[%mul3A_270, %dma_start3A_271] : memref<320x128xf32, #tpu.memory_space<vmem>> -> memref<40x128xf32, #tpu.memory_space<vmem>>
        %dma_start3A_273 = tpu.memref_slice %arg6[%mul3A_268] : memref<6400xi32, #tpu.memory_space<vmem>> -> memref<40xi32, #tpu.memory_space<vmem>>
        %dma_start3A_274 = arith.constant 0 : i32
        %dma_start3A_275 = arith.constant 0 : i32
        %dma_start3A_276 = tpu.memref_slice %arg3[%dma_start3A_274, %dma_start3A_275] : memref<100000x128xf32, #tpu.memory_space<hbm>> -> memref<100000x128xf32, #tpu.memory_space<hbm>>
        %dma_start3A_277 = tpu.memref_slice %arg9[%rem3A_262] : memref<8x!tpu.dma_semaphore, #tpu.memory_space<semaphore_mem>> -> memref<1x!tpu.dma_semaphore, #tpu.memory_space<semaphore_mem>>
        %dma_start3A_278 = tpu.memref_squeeze %dma_start3A_277 : memref<1x!tpu.dma_semaphore, #tpu.memory_space<semaphore_mem>> -> memref<!tpu.dma_semaphore, #tpu.memory_space<semaphore_mem>>
        tpu.enqueue_indirect_dma source(%dma_start3A_276 : memref<100000x128xf32, #tpu.memory_space<hbm>>) target(%dma_start3A_272 : memref<40x128xf32, #tpu.memory_space<vmem>>) offsets(%dma_start3A_273 : memref<40xi32, #tpu.memory_space<vmem>>) semaphore(%dma_start3A_278 : memref<!tpu.dma_semaphore, #tpu.memory_space<semaphore_mem>>)
      } else {
      }
    }
    %scan3A_94 = arith.constant 160 : i32
    %dma_wait3A_95 = arith.constant 0 : i32
    %dma_wait3A_96 = arith.constant 0 : i32
    %dma_wait3A_97 = arith.constant 0 : i32
    %dma_wait3A_98 = tpu.memref_slice %arg8[%dma_wait3A_96, %dma_wait3A_97] : memref<320x128xf32, #tpu.memory_space<vmem>> -> memref<40x128xf32, #tpu.memory_space<vmem>>
    %dma_wait3A_99 = arith.constant 0 : i32
    %dma_wait3A_100 = arith.constant 0 : i32
    %dma_wait3A_101 = tpu.memref_slice %arg3[%dma_wait3A_99, %dma_wait3A_100] : memref<100000x128xf32, #tpu.memory_space<hbm>> -> memref<40x128xf32, #tpu.memory_space<hbm>>
    %dma_wait3A_102 = tpu.memref_slice %arg10[%dma_wait3A_95] : memref<8x!tpu.dma_semaphore, #tpu.memory_space<semaphore_mem>> -> memref<1x!tpu.dma_semaphore, #tpu.memory_space<semaphore_mem>>
    %dma_wait3A_103 = tpu.memref_squeeze %dma_wait3A_102 : memref<1x!tpu.dma_semaphore, #tpu.memory_space<semaphore_mem>> -> memref<!tpu.dma_semaphore, #tpu.memory_space<semaphore_mem>>
    %dma_wait3A_104 = arith.constant 0 : i32
    %dma_wait3A_105 = arith.constant 0 : i32
    %dma_wait3A_106 = tpu.memref_slice %arg8[%dma_wait3A_104, %dma_wait3A_105] : memref<320x128xf32, #tpu.memory_space<vmem>> -> memref<40x128xf32, #tpu.memory_space<vmem>>
    %dma_wait3A_107 = arith.constant 0 : i32
    %dma_wait3A_108 = arith.constant 0 : i32
    %dma_wait3A_109 = tpu.memref_slice %arg3[%dma_wait3A_107, %dma_wait3A_108] : memref<100000x128xf32, #tpu.memory_space<hbm>> -> memref<40x128xf32, #tpu.memory_space<hbm>>
    tpu.wait_dma2 semaphore(%dma_wait3A_103 : memref<!tpu.dma_semaphore, #tpu.memory_space<semaphore_mem>>) src(%dma_wait3A_109 : memref<40x128xf32, #tpu.memory_space<hbm>>) dst(%dma_wait3A_106 : memref<40x128xf32, #tpu.memory_space<vmem>>)
    %dma_wait3A_110 = arith.constant 1 : i32
    %dma_wait3A_111 = arith.constant 0 : i32
    %dma_wait3A_112 = arith.constant 0 : i32
    %dma_wait3A_113 = tpu.memref_slice %arg8[%dma_wait3A_111, %dma_wait3A_112] : memref<320x128xf32, #tpu.memory_space<vmem>> -> memref<40x128xf32, #tpu.memory_space<vmem>>
    %dma_wait3A_114 = arith.constant 0 : i32
    %dma_wait3A_115 = arith.constant 0 : i32
    %dma_wait3A_116 = tpu.memref_slice %arg3[%dma_wait3A_114, %dma_wait3A_115] : memref<100000x128xf32, #tpu.memory_space<hbm>> -> memref<40x128xf32, #tpu.memory_space<hbm>>
    %dma_wait3A_117 = tpu.memref_slice %arg10[%dma_wait3A_110] : memref<8x!tpu.dma_semaphore, #tpu.memory_space<semaphore_mem>> -> memref<1x!tpu.dma_semaphore, #tpu.memory_space<semaphore_mem>>
    %dma_wait3A_118 = tpu.memref_squeeze %dma_wait3A_117 : memref<1x!tpu.dma_semaphore, #tpu.memory_space<semaphore_mem>> -> memref<!tpu.dma_semaphore, #tpu.memory_space<semaphore_mem>>
    %dma_wait3A_119 = arith.constant 0 : i32
    %dma_wait3A_120 = arith.constant 0 : i32
    %dma_wait3A_121 = tpu.memref_slice %arg8[%dma_wait3A_119, %dma_wait3A_120] : memref<320x128xf32, #tpu.memory_space<vmem>> -> memref<40x128xf32, #tpu.memory_space<vmem>>
    %dma_wait3A_122 = arith.constant 0 : i32
    %dma_wait3A_123 = arith.constant 0 : i32
    %dma_wait3A_124 = tpu.memref_slice %arg3[%dma_wait3A_122, %dma_wait3A_123] : memref<100000x128xf32, #tpu.memory_space<hbm>> -> memref<40x128xf32, #tpu.memory_space<hbm>>
    tpu.wait_dma2 semaphore(%dma_wait3A_118 : memref<!tpu.dma_semaphore, #tpu.memory_space<semaphore_mem>>) src(%dma_wait3A_124 : memref<40x128xf32, #tpu.memory_space<hbm>>) dst(%dma_wait3A_121 : memref<40x128xf32, #tpu.memory_space<vmem>>)
    %dma_wait3A_125 = arith.constant 2 : i32
    %dma_wait3A_126 = arith.constant 0 : i32
    %dma_wait3A_127 = arith.constant 0 : i32
    %dma_wait3A_128 = tpu.memref_slice %arg8[%dma_wait3A_126, %dma_wait3A_127] : memref<320x128xf32, #tpu.memory_space<vmem>> -> memref<40x128xf32, #tpu.memory_space<vmem>>
    %dma_wait3A_129 = arith.constant 0 : i32
    %dma_wait3A_130 = arith.constant 0 : i32
    %dma_wait3A_131 = tpu.memref_slice %arg3[%dma_wait3A_129, %dma_wait3A_130] : memref<100000x128xf32, #tpu.memory_space<hbm>> -> memref<40x128xf32, #tpu.memory_space<hbm>>
    %dma_wait3A_132 = tpu.memref_slice %arg10[%dma_wait3A_125] : memref<8x!tpu.dma_semaphore, #tpu.memory_space<semaphore_mem>> -> memref<1x!tpu.dma_semaphore, #tpu.memory_space<semaphore_mem>>
    %dma_wait3A_133 = tpu.memref_squeeze %dma_wait3A_132 : memref<1x!tpu.dma_semaphore, #tpu.memory_space<semaphore_mem>> -> memref<!tpu.dma_semaphore, #tpu.memory_space<semaphore_mem>>
    %dma_wait3A_134 = arith.constant 0 : i32
    %dma_wait3A_135 = arith.constant 0 : i32
    %dma_wait3A_136 = tpu.memref_slice %arg8[%dma_wait3A_134, %dma_wait3A_135] : memref<320x128xf32, #tpu.memory_space<vmem>> -> memref<40x128xf32, #tpu.memory_space<vmem>>
    %dma_wait3A_137 = arith.constant 0 : i32
    %dma_wait3A_138 = arith.constant 0 : i32
    %dma_wait3A_139 = tpu.memref_slice %arg3[%dma_wait3A_137, %dma_wait3A_138] : memref<100000x128xf32, #tpu.memory_space<hbm>> -> memref<40x128xf32, #tpu.memory_space<hbm>>
    tpu.wait_dma2 semaphore(%dma_wait3A_133 : memref<!tpu.dma_semaphore, #tpu.memory_space<semaphore_mem>>) src(%dma_wait3A_139 : memref<40x128xf32, #tpu.memory_space<hbm>>) dst(%dma_wait3A_136 : memref<40x128xf32, #tpu.memory_space<vmem>>)
    %dma_wait3A_140 = arith.constant 3 : i32
    %dma_wait3A_141 = arith.constant 0 : i32
    %dma_wait3A_142 = arith.constant 0 : i32
    %dma_wait3A_143 = tpu.memref_slice %arg8[%dma_wait3A_141, %dma_wait3A_142] : memref<320x128xf32, #tpu.memory_space<vmem>> -> memref<40x128xf32, #tpu.memory_space<vmem>>
    %dma_wait3A_144 = arith.constant 0 : i32
    %dma_wait3A_145 = arith.constant 0 : i32
    %dma_wait3A_146 = tpu.memref_slice %arg3[%dma_wait3A_144, %dma_wait3A_145] : memref<100000x128xf32, #tpu.memory_space<hbm>> -> memref<40x128xf32, #tpu.memory_space<hbm>>
    %dma_wait3A_147 = tpu.memref_slice %arg10[%dma_wait3A_140] : memref<8x!tpu.dma_semaphore, #tpu.memory_space<semaphore_mem>> -> memref<1x!tpu.dma_semaphore, #tpu.memory_space<semaphore_mem>>
    %dma_wait3A_148 = tpu.memref_squeeze %dma_wait3A_147 : memref<1x!tpu.dma_semaphore, #tpu.memory_space<semaphore_mem>> -> memref<!tpu.dma_semaphore, #tpu.memory_space<semaphore_mem>>
    %dma_wait3A_149 = arith.constant 0 : i32
    %dma_wait3A_150 = arith.constant 0 : i32
    %dma_wait3A_151 = tpu.memref_slice %arg8[%dma_wait3A_149, %dma_wait3A_150] : memref<320x128xf32, #tpu.memory_space<vmem>> -> memref<40x128xf32, #tpu.memory_space<vmem>>
    %dma_wait3A_152 = arith.constant 0 : i32
    %dma_wait3A_153 = arith.constant 0 : i32
    %dma_wait3A_154 = tpu.memref_slice %arg3[%dma_wait3A_152, %dma_wait3A_153] : memref<100000x128xf32, #tpu.memory_space<hbm>> -> memref<40x128xf32, #tpu.memory_space<hbm>>
    tpu.wait_dma2 semaphore(%dma_wait3A_148 : memref<!tpu.dma_semaphore, #tpu.memory_space<semaphore_mem>>) src(%dma_wait3A_154 : memref<40x128xf32, #tpu.memory_space<hbm>>) dst(%dma_wait3A_151 : memref<40x128xf32, #tpu.memory_space<vmem>>)
    %dma_wait3A_155 = arith.constant 4 : i32
    %dma_wait3A_156 = arith.constant 0 : i32
    %dma_wait3A_157 = arith.constant 0 : i32
    %dma_wait3A_158 = tpu.memref_slice %arg8[%dma_wait3A_156, %dma_wait3A_157] : memref<320x128xf32, #tpu.memory_space<vmem>> -> memref<40x128xf32, #tpu.memory_space<vmem>>
    %dma_wait3A_159 = arith.constant 0 : i32
    %dma_wait3A_160 = arith.constant 0 : i32
    %dma_wait3A_161 = tpu.memref_slice %arg3[%dma_wait3A_159, %dma_wait3A_160] : memref<100000x128xf32, #tpu.memory_space<hbm>> -> memref<40x128xf32, #tpu.memory_space<hbm>>
    %dma_wait3A_162 = tpu.memref_slice %arg10[%dma_wait3A_155] : memref<8x!tpu.dma_semaphore, #tpu.memory_space<semaphore_mem>> -> memref<1x!tpu.dma_semaphore, #tpu.memory_space<semaphore_mem>>
    %dma_wait3A_163 = tpu.memref_squeeze %dma_wait3A_162 : memref<1x!tpu.dma_semaphore, #tpu.memory_space<semaphore_mem>> -> memref<!tpu.dma_semaphore, #tpu.memory_space<semaphore_mem>>
    %dma_wait3A_164 = arith.constant 0 : i32
    %dma_wait3A_165 = arith.constant 0 : i32
    %dma_wait3A_166 = tpu.memref_slice %arg8[%dma_wait3A_164, %dma_wait3A_165] : memref<320x128xf32, #tpu.memory_space<vmem>> -> memref<40x128xf32, #tpu.memory_space<vmem>>
    %dma_wait3A_167 = arith.constant 0 : i32
    %dma_wait3A_168 = arith.constant 0 : i32
    %dma_wait3A_169 = tpu.memref_slice %arg3[%dma_wait3A_167, %dma_wait3A_168] : memref<100000x128xf32, #tpu.memory_space<hbm>> -> memref<40x128xf32, #tpu.memory_space<hbm>>
    tpu.wait_dma2 semaphore(%dma_wait3A_163 : memref<!tpu.dma_semaphore, #tpu.memory_space<semaphore_mem>>) src(%dma_wait3A_169 : memref<40x128xf32, #tpu.memory_space<hbm>>) dst(%dma_wait3A_166 : memref<40x128xf32, #tpu.memory_space<vmem>>)
    %dma_wait3A_170 = arith.constant 5 : i32
    %dma_wait3A_171 = arith.constant 0 : i32
    %dma_wait3A_172 = arith.constant 0 : i32
    %dma_wait3A_173 = tpu.memref_slice %arg8[%dma_wait3A_171, %dma_wait3A_172] : memref<320x128xf32, #tpu.memory_space<vmem>> -> memref<40x128xf32, #tpu.memory_space<vmem>>
    %dma_wait3A_174 = arith.constant 0 : i32
    %dma_wait3A_175 = arith.constant 0 : i32
    %dma_wait3A_176 = tpu.memref_slice %arg3[%dma_wait3A_174, %dma_wait3A_175] : memref<100000x128xf32, #tpu.memory_space<hbm>> -> memref<40x128xf32, #tpu.memory_space<hbm>>
    %dma_wait3A_177 = tpu.memref_slice %arg10[%dma_wait3A_170] : memref<8x!tpu.dma_semaphore, #tpu.memory_space<semaphore_mem>> -> memref<1x!tpu.dma_semaphore, #tpu.memory_space<semaphore_mem>>
    %dma_wait3A_178 = tpu.memref_squeeze %dma_wait3A_177 : memref<1x!tpu.dma_semaphore, #tpu.memory_space<semaphore_mem>> -> memref<!tpu.dma_semaphore, #tpu.memory_space<semaphore_mem>>
    %dma_wait3A_179 = arith.constant 0 : i32
    %dma_wait3A_180 = arith.constant 0 : i32
    %dma_wait3A_181 = tpu.memref_slice %arg8[%dma_wait3A_179, %dma_wait3A_180] : memref<320x128xf32, #tpu.memory_space<vmem>> -> memref<40x128xf32, #tpu.memory_space<vmem>>
    %dma_wait3A_182 = arith.constant 0 : i32
    %dma_wait3A_183 = arith.constant 0 : i32
    %dma_wait3A_184 = tpu.memref_slice %arg3[%dma_wait3A_182, %dma_wait3A_183] : memref<100000x128xf32, #tpu.memory_space<hbm>> -> memref<40x128xf32, #tpu.memory_space<hbm>>
    tpu.wait_dma2 semaphore(%dma_wait3A_178 : memref<!tpu.dma_semaphore, #tpu.memory_space<semaphore_mem>>) src(%dma_wait3A_184 : memref<40x128xf32, #tpu.memory_space<hbm>>) dst(%dma_wait3A_181 : memref<40x128xf32, #tpu.memory_space<vmem>>)
    %dma_wait3A_185 = arith.constant 6 : i32
    %dma_wait3A_186 = arith.constant 0 : i32
    %dma_wait3A_187 = arith.constant 0 : i32
    %dma_wait3A_188 = tpu.memref_slice %arg8[%dma_wait3A_186, %dma_wait3A_187] : memref<320x128xf32, #tpu.memory_space<vmem>> -> memref<40x128xf32, #tpu.memory_space<vmem>>
    %dma_wait3A_189 = arith.constant 0 : i32
    %dma_wait3A_190 = arith.constant 0 : i32
    %dma_wait3A_191 = tpu.memref_slice %arg3[%dma_wait3A_189, %dma_wait3A_190] : memref<100000x128xf32, #tpu.memory_space<hbm>> -> memref<40x128xf32, #tpu.memory_space<hbm>>
    %dma_wait3A_192 = tpu.memref_slice %arg10[%dma_wait3A_185] : memref<8x!tpu.dma_semaphore, #tpu.memory_space<semaphore_mem>> -> memref<1x!tpu.dma_semaphore, #tpu.memory_space<semaphore_mem>>
    %dma_wait3A_193 = tpu.memref_squeeze %dma_wait3A_192 : memref<1x!tpu.dma_semaphore, #tpu.memory_space<semaphore_mem>> -> memref<!tpu.dma_semaphore, #tpu.memory_space<semaphore_mem>>
    %dma_wait3A_194 = arith.constant 0 : i32
    %dma_wait3A_195 = arith.constant 0 : i32
    %dma_wait3A_196 = tpu.memref_slice %arg8[%dma_wait3A_194, %dma_wait3A_195] : memref<320x128xf32, #tpu.memory_space<vmem>> -> memref<40x128xf32, #tpu.memory_space<vmem>>
    %dma_wait3A_197 = arith.constant 0 : i32
    %dma_wait3A_198 = arith.constant 0 : i32
    %dma_wait3A_199 = tpu.memref_slice %arg3[%dma_wait3A_197, %dma_wait3A_198] : memref<100000x128xf32, #tpu.memory_space<hbm>> -> memref<40x128xf32, #tpu.memory_space<hbm>>
    tpu.wait_dma2 semaphore(%dma_wait3A_193 : memref<!tpu.dma_semaphore, #tpu.memory_space<semaphore_mem>>) src(%dma_wait3A_199 : memref<40x128xf32, #tpu.memory_space<hbm>>) dst(%dma_wait3A_196 : memref<40x128xf32, #tpu.memory_space<vmem>>)
    %dma_wait3A_200 = arith.constant 7 : i32
    %dma_wait3A_201 = arith.constant 0 : i32
    %dma_wait3A_202 = arith.constant 0 : i32
    %dma_wait3A_203 = tpu.memref_slice %arg8[%dma_wait3A_201, %dma_wait3A_202] : memref<320x128xf32, #tpu.memory_space<vmem>> -> memref<40x128xf32, #tpu.memory_space<vmem>>
    %dma_wait3A_204 = arith.constant 0 : i32
    %dma_wait3A_205 = arith.constant 0 : i32
    %dma_wait3A_206 = tpu.memref_slice %arg3[%dma_wait3A_204, %dma_wait3A_205] : memref<100000x128xf32, #tpu.memory_space<hbm>> -> memref<40x128xf32, #tpu.memory_space<hbm>>
    %dma_wait3A_207 = tpu.memref_slice %arg10[%dma_wait3A_200] : memref<8x!tpu.dma_semaphore, #tpu.memory_space<semaphore_mem>> -> memref<1x!tpu.dma_semaphore, #tpu.memory_space<semaphore_mem>>
    %dma_wait3A_208 = tpu.memref_squeeze %dma_wait3A_207 : memref<1x!tpu.dma_semaphore, #tpu.memory_space<semaphore_mem>> -> memref<!tpu.dma_semaphore, #tpu.memory_space<semaphore_mem>>
    %dma_wait3A_209 = arith.constant 0 : i32
    %dma_wait3A_210 = arith.constant 0 : i32
    %dma_wait3A_211 = tpu.memref_slice %arg8[%dma_wait3A_209, %dma_wait3A_210] : memref<320x128xf32, #tpu.memory_space<vmem>> -> memref<40x128xf32, #tpu.memory_space<vmem>>
    %dma_wait3A_212 = arith.constant 0 : i32
    %dma_wait3A_213 = arith.constant 0 : i32
    %dma_wait3A_214 = tpu.memref_slice %arg3[%dma_wait3A_212, %dma_wait3A_213] : memref<100000x128xf32, #tpu.memory_space<hbm>> -> memref<40x128xf32, #tpu.memory_space<hbm>>
    tpu.wait_dma2 semaphore(%dma_wait3A_208 : memref<!tpu.dma_semaphore, #tpu.memory_space<semaphore_mem>>) src(%dma_wait3A_214 : memref<40x128xf32, #tpu.memory_space<hbm>>) dst(%dma_wait3A_211 : memref<40x128xf32, #tpu.memory_space<vmem>>)
    return
  }
}

</mosaic_0001>

<sc_bundles>
// kernel: kernel.3.cloned.1.call-start
scs
__scs_entry_jumppad:
0x0: {  	(pc) =	sbr.rel $0x88, $3  }
0x1: {  	(tag) =	ssettag $0x0;
	lr =	simm.s32 $0x1  }
0x2: {  	[smem:$0x3F9E] =	sst lr;
	_ =	strace $0xD0000000  }
0x3: {  	_ = 	snop  }
0x4: {  	_ = 	snop  }
0x5: {  	_ = 	snop  }
0x6: {  	_ = 	snop  }
0x7: {  	_ = 	snop  }
__scs_overlays_trampoline_lowered:
0x8: {  	[smem:$0x3FAD] =	sst s0  }
0x9: {  	[smem:$0x3FAE] =	sst s1  }
0xa: {  	[smem:$0x3FAF] =	sst s2  }
0xb: {  	[smem:$0x3FB0] =	sst s3  }
0xc: {  	[smem:$0x3FB1] =	sst s4  }
0xd: {  	[smem:$0x3FB2] =	sst s5  }
0xe: {  	[smem:$0x3FB3] =	sst s6  }
0xf: {  	[smem:$0x3FB4] =	sst s7  }
0x10: {  	[smem:$0x3FB5] =	sst s8  }
0x11: {  	[smem:$0x3FB6] =	sst s9;
	s0 =	simm.s32 @!p0 $0x0  }
0x12: {  	s1 =	sld [smem:$0x3F9C];
	s0 =	simm.s32 @p0 $0x1  }
0x13: {  	[smem:$0x3FB7] =	sst s0;
	s0 =	simm.s32 @!p1 $0x0  }
0x14: {  	s2 =	sld [smem:$0x3F9B];
	s0 =	simm.s32 @p1 $0x1  }
0x15: {  	[smem:$0x3FB8] =	sst s0;
	s0 =	simm.s32 @!p2 $0x0  }
0x16: {  	s3 =	sld [smem:$0x3FDB];
	s0 =	simm.s32 @p2 $0x1  }
0x17: {  	s4 =	simm.s32 $0x1BF5;
	[smem:$0x3FBA] =	sst s0  }
0x18: {  	s0 =	sld [smem:$0x3F9D];
	_ =	swait.ge [sflag:s4], $0x0  }
0x19: {  	s7 =	sld [smem:$0x3F9E]  }
0x1a: {  	s8 =	sadd.s32 $0xFFFFE003, lr  }
0x1b: {  	s9 =	sadd.s32 $0xFFFFFEF7, lr;
	s5 =	simm.s32 $0xFFFFFFFF;
	p2 =	slt.u32 s8, $0xFFFFF086  }
0x1c: {  	p1 =	slt.u32 s9, $0xF7A;
	s5 =	simm.s32 @!p2 $0x0  }
0x1d: {  	s5 =	simm.s32 @p1 $0x1;
	p0 =	seq.s32 s7, s2  }
0x1e: {  	s7 =	smul.u32 @!p0 $0xF7A, s2;
	p2 =	seq.s32 @!p0 s5, $0x0  }
0x1f: {  	s9 =	smul.u32 $0xF7A, s1;
	s8 =	simm.s32 @!p0 $0x1BF5;
	p2 =	por !p2, p0  }
0x20: {  	[sflag:s8] =	ssyncset.s32 @!p0 $0xFFFFF086;
	s6 =	sadd.s32 @!p0 s3, s7;
	s7 =	simm.s32 @!p0 $0x108  }
0x21: {  	s3 =	sadd.s32 s3, s9;
	s6 =	sadd.s32 @!p0 $0x88, s6;
	s7 =	simm.s32 @p2 $0x1082  }
0x22: {  	[simem:s7], [sflag:s8] =	dma.local @!p0 [hbm:s6], $0xF7A  }
0x23: {  	s9 =	sor.u32 $0xD0000000, s2;
	s6 =	simm.s32 $0x108;
	_ =	swait.ge @!p0 [sflag:s8], $0x0  }
0x24: {  	s3 =	sadd.s32 $0x88, s3;
	s6 =	simm.s32 @!p1 $0x1082;
	[sflag:s4] =	ssyncset.s32 $0xFFFFF086  }
0x25: {  	[simem:s6], [sflag:s4] =	dma.local [hbm:s3], $0xF7A  }
0x26: {  	[smem:$0x3F9E] =	sst s1;
	(tag) =	ssettag s2;
	_ =	strace s9  }
0x27: {  	s1 =	sld [smem:$0x3FAE]  }
0x28: {  	s2 =	sld [smem:$0x3FAF]  }
0x29: {  	s4 =	sld [smem:$0x3FB1]  }
0x2a: {  	p0 =	seq.s32 s5, $0x0;
	s5 =	sld [smem:$0x3FB2]  }
0x2b: {  	s6 =	sld [smem:$0x3FB3]  }
0x2c: {  	s7 =	sld [smem:$0x3FB4]  }
0x2d: {  	s3 =	simm.s32 $0x108;
	s8 =	sld [smem:$0x3FB5]  }
0x2e: {  	s3 =	simm.s32 @!p0 $0x1082;
	s9 =	sld [smem:$0x3FB6]  }
0x2f: {  	lr =	sadd.s32 s0, s3;
	s0 =	sld [smem:$0x3FAD]  }
0x30: {  	s3 =	sld [smem:$0x3FB0]  }
0x31: {  	[smem:$0x3FB9] =	sst s10  }
0x32: {  	s10 =	sld [smem:$0x3FB7];
	_ =	sdelay $0x3  }
0x33: {  	p0 =	seq.s32 s10, $0x1;
	s10 =	sld [smem:$0x3FB9];
	_ =	sdelay $0x3  }
0x34: {  	[smem:$0x3FB9] =	sst s10  }
0x35: {  	s10 =	sld [smem:$0x3FB8];
	_ =	sdelay $0x3  }
0x36: {  	p1 =	seq.s32 s10, $0x1;
	s10 =	sld [smem:$0x3FB9];
	_ =	sdelay $0x3  }
0x37: {  	[smem:$0x3FB9] =	sst s10  }
0x38: {  	s10 =	sld [smem:$0x3FBA]  }
0x39: {  	_ = 	snop;
	(pc) =	sbr.ind lr, $3  }
0x3a: {  	_ = 	snop  }
0x3b: {  	_ = 	snop  }
0x3c: {  	p2 =	seq.s32 s10, $0x1;
	s10 =	sld [smem:$0x3FB9]  }
0x3d: {  	_ =	shalt  }
0x3e: {  	_ =	shalt  }
0x3f: {  	_ =	shalt  }
0x40: {  	_ =	shalt  }
0x41: {  	_ =	shalt  }
0x42: {  	_ =	shalt  }
0x43: {  	_ =	shalt  }
0x44: {  	_ =	shalt  }
0x45: {  	_ =	shalt  }
0x46: {  	_ =	shalt  }
0x47: {  	_ =	shalt  }
0x48: {  	_ =	shalt  }
0x49: {  	_ =	shalt  }
0x4a: {  	_ =	shalt  }
0x4b: {  	_ =	shalt  }
0x4c: {  	_ =	shalt  }
0x4d: {  	_ =	shalt  }
0x4e: {  	_ =	shalt  }
0x4f: {  	_ =	shalt  }
0x50: {  	_ =	shalt  }
0x51: {  	_ =	shalt  }
0x52: {  	_ =	shalt  }
0x53: {  	_ =	shalt  }
0x54: {  	_ =	shalt  }
0x55: {  	_ =	shalt  }
0x56: {  	_ =	shalt  }
0x57: {  	_ =	shalt  }
0x58: {  	_ =	shalt  }
0x59: {  	_ =	shalt  }
0x5a: {  	_ =	shalt  }
0x5b: {  	_ =	shalt  }
0x5c: {  	_ =	shalt  }
0x5d: {  	_ =	shalt  }
0x5e: {  	_ =	shalt  }
0x5f: {  	_ =	shalt  }
0x60: {  	_ =	shalt  }
0x61: {  	_ =	shalt  }
0x62: {  	_ =	shalt  }
0x63: {  	_ =	shalt  }
0x64: {  	_ =	shalt  }
0x65: {  	_ =	shalt  }
0x66: {  	_ =	shalt  }
0x67: {  	_ =	shalt  }
0x68: {  	_ =	shalt  }
0x69: {  	_ =	shalt  }
0x6a: {  	_ =	shalt  }
0x6b: {  	_ =	shalt  }
0x6c: {  	_ =	shalt  }
0x6d: {  	_ =	shalt  }
0x6e: {  	_ =	shalt  }
0x6f: {  	_ =	shalt  }
0x70: {  	_ =	shalt  }
0x71: {  	_ =	shalt  }
0x72: {  	_ =	shalt  }
0x73: {  	_ =	shalt  }
0x74: {  	_ =	shalt  }
0x75: {  	_ =	shalt  }
0x76: {  	_ =	shalt  }
0x77: {  	_ =	shalt  }
0x78: {  	_ =	shalt  }
0x79: {  	_ =	shalt  }
0x7a: {  	_ =	shalt  }
0x7b: {  	_ =	shalt  }
0x7c: {  	_ =	shalt  }
0x7d: {  	_ =	shalt  }
0x7e: {  	_ =	shalt  }
0x7f: {  	_ =	shalt  }
0x80: {  	_ =	shalt  }
0x81: {  	_ =	shalt  }
0x82: {  	_ =	shalt  }
0x83: {  	_ =	shalt  }
0x84: {  	_ =	shalt  }
0x85: {  	_ =	shalt  }
0x86: {  	_ =	shalt  }
0x87: {  	_ =	shalt  }
.Lfunc_end0:
.L_simem_size_0:
called_computation_lowered:
.L_overlay_start_0:
0x88: {  	s2 =	sld [smem:$0x3FD9]  }
0x89: {  	s3 =	sld [smem:$0x3FFE];
	_ =	sdelay $0x1  }
0x8a: {  	s1 =	srdreg.scid  }
0x8b: {  	s0 =	sand.u32 $0x1, s1  }
0x8c: {  	s17 =	sshll.u32 s0, $0xA;
	s2 =	sadd.s32 s3, s2  }
0x8d: {  	s2 =	sadd.s32 s2, s17  }
0x8e: {  	[smem:$0x3FC5] =	sst s2  }
0x8f: {  	_ = 	snop  }
0x90: {  	s2 =	sld [smem:$0x3FC8]  }
0x91: {  	s18 =	sld [smem:$0x3FC7]  }
0x92: {  	s4 =	sld [smem:$0x3FD0];
	(tm) =	ssettm $0x1  }
0x93: {  	s5 =	sld [smem:$0x3FFB];
	_ =	sdelay $0x3  }
0x94: {  	_ =	strace s5  }
0x95: {  	s5 =	sld [smem:$0x3FFC];
	_ =	sdelay $0x3  }
0x96: {  	_ =	strace s5  }
0x97: {  	s5 =	sld [smem:$0x3FFD];
	_ =	sdelay $0x3  }
0x98: {  	_ =	strace s5  }
0x99: {  	_ =	strace $0x8FFFFFFF  }
0x9a: {  	s19 =	sld [smem:$0x3FDB];
	_ =	sdelay $0x1  }
0x9b: {  	s6 =	simm.s32 $_scs_section_size  }
0x9c: {  	s7 =	simm.s32 $_size__tile_overlayer_lowered;
	s8 =	simm.s32 $_tile_overlayer_lowered  }
0x9d: {  	s22 =	simm.s32 $0x1BFF;
	s21 =	sshll.u32 s8, $0x1;
	s5 =	sadd.s32 s6, s19  }
0x9e: {  	s9 =	simm.s32 $0x0;
	s20 =	sshll.u32 s7, $0x1;
	s7 =	sadd.s32 s21, s5  }
0x9f: {  	[timem:s9], [sflag:s22] =	dma.local [hbm:s7], s20  }
0xa0: {  	_ =	swait.ge [sflag:s22], s20  }
0xa1: {  	s6 =	ssub.s32 $0x0, s20;
	[sflag:s22] =	ssyncset.done $0x0  }
0xa2: {  	[sflag:s22] =	ssyncadd.s32 s6;
	_ =	sdelay $0x1  }
0xa3: {  	s23 =	simm.s32 $0x1B8B  }
0xa4: {  	_ =	swait.ge [sflag:s23], $0x1  }
0xa5: {  	[sflag:s23] =	ssyncset.done $0x0  }
0xa6: {  	s25 =	simm.s32 $0x1B8E;
	s24 =	sld [smem:$0x3FFE];
	[sflag:s23] =	ssyncadd.s32 $0xFFFFFFFF  }
0xa7: {  	s26 =	simm.s32 $execute0_lowered;
	[smem:$0x3FD2] =	sst s25  }
0xa8: {  	s7 =	sshll.u32 s26, $0x1;
	_ =	strace $0x80000046;
	[dreg:$0x1] =	wrdreg $0xFFFFFFFF  }
0xa9: {  	s28 =	simm.s32 $_size_execute0_lowered;
	s5 =	sadd.s32 s5, s7;
	[dreg:$0x0] =	wrdreg $0x0  }
0xaa: {  	s7 =	sshll.u32 s28, $0x1;
	[dreg:$0x2] =	wrdreg s5  }
0xab: {  	[dreg:$0x3] =	wrdreg s7  }
0xac: {  	[dreg:$0x4] =	wrdreg $0xC0  }
0xad: {  	_ =	task [dreg:s9], $0x5FFFF  }
0xae: {  	[dreg:$0x1] =	wrdreg $0xFFFFFFFF  }
0xaf: {  	[dreg:$0x0] =	wrdreg $0x60  }
0xb0: {  	[dreg:$0x2] =	wrdreg s24  }
0xb1: {  	[dreg:$0x3] =	wrdreg s2  }
0xb2: {  	[dreg:$0x4] =	wrdreg s18  }
0xb3: {  	[dreg:$0x5] =	wrdreg s4  }
0xb4: {  	[dreg:$0x6] =	wrdreg $0x9  }
0xb5: {  	_ =	task.clear_ibuf [dreg:s9], $0x7FFFF;
	_ =	strace $0x90000046  }
0xb6: {  	s29 =	simm.s32 $0x9;
	_ =	strace $0x80000048  }
0xb7: {  	_ =	swait.ge [sflag:s29], $0x1  }
0xb8: {  	[sflag:s29] =	ssyncadd.s32 $0xFFFFFFFF  }
0xb9: {  	_ =	strace $0x90000048  }
0xba: {  	_ =	sfence  }
0xbb: {  	s30 =	sld [smem:$0x0];
	_ =	sdelay $0x2  }
0xbc: {  	s31 =	sshll.u32 s1, $0xD;
	s1 =	sshrl.u32 s1, $0x2  }
0xbd: {  	s3 =	sand.u32 $0x4000, s31;
	s1 =	sadd.s32 s1, s30  }
0xbe: {  	s0 =	sor.u32 s3, s0;
	s1 =	sshll.u32 s1, $0x11  }
0xbf: {  	s0 =	sor.u32 s1, s0  }
0xc0: {  	s0 =	sadd.s32 $0x8F2B, s0  }
0xc1: {  	[sflag:s0] =	ssyncadd.remote.s32 $0x1  }
0xc2: {  	_ =	sfence.sel $0xFFFF  }
0xc3: {  	[dreg:$0x0] =	wrdreg $0xFFFFFFFF;
	(pc) =	sbr.abs _section_cstart, $3  }
0xc4: {  	[dreg:$0x1] =	wrdreg $0xFFFFFFFF  }
0xc5: {  	_ =	task.clear_ibuf [dreg:s9], $0x2FFFF;
	_ =	strace $0x9FFFFFFF  }
0xc6: {  	(tm) =	ssettm $0x7FFFFFFF  }
0xc7: {  	_ =	shalt  }
tec
execute0_lowered:
.L_overlay_start_1:
0x0: {  	(tag) =	ssettag $0x1  }
0x1: {  	s0 =	rddreg [dreg:$0x0]  }
0x2: {  	s2 =	srdreg.scid;
	s1 =	rddreg [dreg:$0x1]  }
0x3: {  	s3 =	stileid.u32;
	s4 =	rddreg [dreg:$0x3];
	s6 =	simm.s32 $0x0  }
0x4: {  	s10 =	simm.s32 $0x12;
	s11 =	simm.s32 $0x28;
	s22 =	simm.s32 $0xF0  }
0x5: {  	s23 =	simm.s32 $0xF500;
	s24 =	simm.s32 $0x11;
	s25 =	simm.s32 $0x9  }
0x6: {  	s26 =	simm.s32 $0xA;
	s2 =	sand.u32 $0x1, s2;
	s3 =	sshll.u32 s3, $0x1  }
0x7: {  	s28 =	simm.s32 $0xB;
	s29 =	simm.s32 $0xC;
	s3 =	sor.u32 s2, s3  }
0x8: {  	s30 =	simm.s32 $0xD;
	s2 =	ssub.s32 $0x2, s2;
	s5 =	smul.u32 $0x1900, s3  }
0x9: {  	s31 =	simm.s32 $0xE;
	[smem:$0x7FF] =	sst s6;
	s7 =	sshrl.u32 s2, $0x1  }
0xa: {  	_ =	strace $0x80000047;
	s2 =	ssub.s32 s2, s7;
	s3 =	sshrl.u32 s5, $0x3  }
0xb: {  	s8 =	smax.u32 s2, $0x1;
	s2 =	simm.s32 $0xF;
	s0 =	sadd.s32 s3, s0  }
0xc: {  	s3 =	simm.s32 $0x0;
	s7 =	sadd.s32 $0x400, s0;
	s0 =	simm.s32 $0x10  }
.LBB2_1:
0xd: {  	s9 =	rddreg [dreg:$0x2];
	s12 =	simm.s32 $0x1900  }
0xe: {  	[tilespmem:s12], [sflag:$0x11] =	stream.linear.gather [hbm4b:s9+s6], $0x6400, $0x38;
	[tilespmem:$0x11D00] =	vst v63  }
0xf: {  	_ = 	snop  }
0x10: {  	[tilespmem:s6], [sflag:$0x12] =	stream.linear.gather [hbm4b:s7+s6], $0x1900, $0x38;
	[tilespmem:$0x11D00] =	vst v63  }
0x11: {  	_ =	swait.ge [sflag:s10], $0x1900  }
0x12: {  	[sflag:s10] =	ssyncset.done $0x0  }
0x13: {  	s12 =	simm.s32 $0x7D00;
	[sflag:s10] =	ssyncadd.s32 $0xFFFFE700  }
0x14: {  	[tilespmem:s12], [sflag:$0x1] =	stream.indirect.gather [hbm4b:s1+s11], $0x80, s6, s11, $0xb8;
	[tilespmem:$0x11D00] =	vst v63  }
0x15: {  	s13 =	simm.s32 $0x9100  }
0x16: {  	[tilespmem:s13], [sflag:$0x2] =	stream.indirect.gather [hbm4b:s1+s11], $0x80, s11, s11, $0xb8;
	[tilespmem:$0x11D00] =	vst v63  }
0x17: {  	s14 =	simm.s32 $0x50;
	s15 =	simm.s32 $0xA500  }
0x18: {  	[tilespmem:s15], [sflag:$0x3] =	stream.indirect.gather [hbm4b:s1+s11], $0x80, s14, s11, $0xb8;
	[tilespmem:$0x11D00] =	vst v63  }
0x19: {  	s16 =	simm.s32 $0x78;
	s17 =	simm.s32 $0xB900  }
0x1a: {  	[tilespmem:s17], [sflag:$0x4] =	stream.indirect.gather [hbm4b:s1+s11], $0x80, s16, s11, $0xb8;
	[tilespmem:$0x11D00] =	vst v63  }
0x1b: {  	s18 =	simm.s32 $0xA0;
	s19 =	simm.s32 $0xCD00  }
0x1c: {  	[tilespmem:s19], [sflag:$0x5] =	stream.indirect.gather [hbm4b:s1+s11], $0x80, s18, s11, $0xb8;
	[tilespmem:$0x11D00] =	vst v63  }
0x1d: {  	s20 =	simm.s32 $0xC8;
	s21 =	simm.s32 $0xE100  }
0x1e: {  	[tilespmem:s21], [sflag:$0x6] =	stream.indirect.gather [hbm4b:s1+s11], $0x80, s20, s11, $0xb8;
	[tilespmem:$0x11D00] =	vst v63  }
0x1f: {  	_ = 	snop  }
0x20: {  	[tilespmem:s23], [sflag:$0x7] =	stream.indirect.gather [hbm4b:s1+s11], $0x80, s22, s11, $0xb8;
	[tilespmem:$0x11D00] =	vst v63  }
0x21: {  	_ =	swait.ge [sflag:s24], $0x6400  }
0x22: {  	s9 =	simm.s32 $0x0;
	s12 =	simm.s32 $0x0;
	[sflag:s24] =	ssyncset.done $0x0  }
0x23: {  	s13 =	simm.s32 $0x0;
	s14 =	simm.s32 $0x0;
	[sflag:s24] =	ssyncadd.s32 $0xFFFF9C00  }
.LBB2_2:
0x24: {  	s15 =	sand.u32 $0xFF, s12  }
0x25: {  	s15 =	smul.u32 $0xCD, s15;
	_ =	sdelay $0x1  }
0x26: {  	s15 =	sshrl.u32 s15, $0xA  }
0x27: {  	s17 =	sand.u32 $0x7, s9;
	s16 =	smul.u32 $0x38, s15;
	s15 =	sand.u32 $0x7, s14  }
0x28: {  	s17 =	smul.u32 $0x5000, s17;
	s18 =	sadd.s32 $0x1, s15  }
0x29: {  	_ =	swait.ge [sflag:s18], $0x1400  }
0x2a: {  	s17 =	sshrl.u32 s17, $0x2;
	s16 =	sadd.s32 s16, s13;
	[sflag:s18] =	ssyncset.done $0x0  }
0x2b: {  	s19 =	sand.u32 $0xFF, s16;
	s16 =	sadd.s32 $0x7E00, s17;
	[sflag:s18] =	ssyncadd.s32 $0xFFFFEC00  }
0x2c: {  	v0 =	vld [tilespmem:s16+$0x80]  }
0x2d: {  	v1 =	vld [tilespmem:s16+$0xFFFFFF80]  }
0x2e: {  	v3 =	vld [tilespmem:s16+$0xFFFFFF00]  }
0x2f: {  	v4 =	vld [tilespmem:s16+$0x0]  }
0x30: {  	s21 =	sshll.u32 s19, $0x7;
	s17 =	sadd.s32 $0x200, s16;
	v8 =	vld [tilespmem:s16+$0xFFFFFF10]  }
0x31: {  	s19 =	sadd.s32 $0x1A00, s21;
	v10 =	vld [tilespmem:s17+$0xFFFFFF80]  }
0x32: {  	v2 =	vld [tilespmem:s19+$0x80]  }
0x33: {  	v12 =	vld [tilespmem:s17+$0xFFFFFF00]  }
0x34: {  	v5 =	vld [tilespmem:s19+$0xFFFFFF00]  }
0x35: {  	v13 =	vld [tilespmem:s17+$0x0];
	v0 =	vmul.f32 $1.131370830e+01, v0  }
0x36: {  	v6 =	vld [tilespmem:s19+$0xFFFFFF80]  }
0x37: {  	v7 =	vld [tilespmem:s19+$0x0];
	v3 =	vmul.f32 $1.131370830e+01, v3;
	v0 =	vadd.f32 v2, v0  }
0x38: {  	v2 =	vld [tilespmem:s16+$0x90]  }
0x39: {  	v17 =	vld [tilespmem:s17+$0xFFFFFF10];
	v1 =	vmul.f32 $1.131370830e+01, v1;
	v3 =	vadd.f32 v5, v3;
	[tilespmem:s16+$0x80] =	vst v0  }
0x3a: {  	v0 =	vld [tilespmem:s19+$0x90]  }
0x3b: {  	v4 =	vmul.f32 $1.131370830e+01, v4;
	v1 =	vadd.f32 v6, v1;
	v5 =	vld [tilespmem:s16+$0xFFFFFF90];
	[tilespmem:s16+$0xFFFFFF00] =	vst v3  }
0x3c: {  	v3 =	vld [tilespmem:s19+$0xFFFFFF10]  }
0x3d: {  	v6 =	vld [tilespmem:s16+$0x10];
	[tilespmem:s16+$0xFFFFFF80] =	vst v1;
	v1 =	vadd.f32 v7, v4;
	v2 =	vmul.f32 $1.131370830e+01, v2  }
0x3e: {  	v4 =	vld [tilespmem:s19+$0xFFFFFF90]  }
0x3f: {  	[tilespmem:s16+$0x0] =	vst v1;
	v1 =	vld [tilespmem:s16+$0xA0];
	v0 =	vadd.f32 v0, v2;
	v2 =	vmul.f32 $1.131370830e+01, v8  }
0x40: {  	v8 =	vld [tilespmem:s19+$0x10]  }
0x41: {  	v7 =	vld [tilespmem:s16+$0xFFFFFF20];
	v5 =	vmul.f32 $1.131370830e+01, v5;
	[tilespmem:s16+$0x90] =	vst v0;
	v2 =	vadd.f32 v3, v2  }
0x42: {  	v0 =	vld [tilespmem:s19+$0xA0]  }
0x43: {  	v4 =	vadd.f32 v4, v5;
	v5 =	vmul.f32 $1.131370830e+01, v6;
	v3 =	vld [tilespmem:s16+$0xFFFFFFA0];
	[tilespmem:s16+$0xFFFFFF10] =	vst v2  }
0x44: {  	v2 =	vld [tilespmem:s19+$0xFFFFFF20]  }
0x45: {  	v6 =	vld [tilespmem:s16+$0x20];
	v1 =	vmul.f32 $1.131370830e+01, v1;
	[tilespmem:s16+$0xFFFFFF90] =	vst v4;
	v4 =	vadd.f32 v8, v5  }
0x46: {  	v5 =	vld [tilespmem:s19+$0xFFFFFFA0]  }
0x47: {  	[tilespmem:s16+$0x10] =	vst v4;
	v4 =	vld [tilespmem:s16+$0xB0];
	v0 =	vadd.f32 v0, v1;
	v1 =	vmul.f32 $1.131370830e+01, v7  }
0x48: {  	v7 =	vld [tilespmem:s19+$0x20]  }
0x49: {  	v8 =	vld [tilespmem:s16+$0xFFFFFF30];
	v3 =	vmul.f32 $1.131370830e+01, v3;
	[tilespmem:s16+$0xA0] =	vst v0;
	v1 =	vadd.f32 v2, v1  }
0x4a: {  	v0 =	vld [tilespmem:s19+$0xB0]  }
0x4b: {  	v2 =	vld [tilespmem:s16+$0xFFFFFFB0];
	v3 =	vadd.f32 v5, v3;
	v5 =	vmul.f32 $1.131370830e+01, v6;
	[tilespmem:s16+$0xFFFFFF20] =	vst v1  }
0x4c: {  	v1 =	vmul.f32 $1.131370830e+01, v4;
	v4 =	vld [tilespmem:s19+$0xFFFFFF30]  }
0x4d: {  	v6 =	vld [tilespmem:s16+$0x30];
	[tilespmem:s16+$0xFFFFFFA0] =	vst v3;
	v3 =	vadd.f32 v7, v5  }
0x4e: {  	v5 =	vld [tilespmem:s19+$0xFFFFFFB0]  }
0x4f: {  	[tilespmem:s16+$0x20] =	vst v3;
	v3 =	vld [tilespmem:s16+$0xC0];
	v0 =	vadd.f32 v0, v1;
	v1 =	vmul.f32 $1.131370830e+01, v8  }
0x50: {  	v8 =	vld [tilespmem:s19+$0x30]  }
0x51: {  	v7 =	vld [tilespmem:s16+$0xFFFFFF40];
	v2 =	vmul.f32 $1.131370830e+01, v2;
	[tilespmem:s16+$0xB0] =	vst v0;
	v1 =	vadd.f32 v4, v1  }
0x52: {  	v0 =	vld [tilespmem:s19+$0xC0]  }
0x53: {  	v4 =	vld [tilespmem:s16+$0xFFFFFFC0];
	v2 =	vadd.f32 v5, v2;
	v5 =	vmul.f32 $1.131370830e+01, v6;
	[tilespmem:s16+$0xFFFFFF30] =	vst v1  }
0x54: {  	v1 =	vmul.f32 $1.131370830e+01, v3;
	v3 =	vld [tilespmem:s19+$0xFFFFFF40]  }
0x55: {  	v6 =	vld [tilespmem:s16+$0x40];
	[tilespmem:s16+$0xFFFFFFB0] =	vst v2;
	v2 =	vadd.f32 v8, v5  }
0x56: {  	v5 =	vld [tilespmem:s19+$0xFFFFFFC0]  }
0x57: {  	[tilespmem:s16+$0x30] =	vst v2;
	v2 =	vld [tilespmem:s16+$0xD0];
	v0 =	vadd.f32 v0, v1;
	v1 =	vmul.f32 $1.131370830e+01, v7  }
0x58: {  	v8 =	vld [tilespmem:s16+$0xFFFFFF50]  }
0x59: {  	v7 =	vld [tilespmem:s19+$0x40];
	[tilespmem:s16+$0xC0] =	vst v0;
	v1 =	vadd.f32 v3, v1  }
0x5a: {  	v4 =	vmul.f32 $1.131370830e+01, v4;
	v0 =	vld [tilespmem:s19+$0xD0]  }
0x5b: {  	v26 =	vld [tilespmem:s17+$0xFFFFFF90];
	[tilespmem:s16+$0xFFFFFF40] =	vst v1  }
0x5c: {  	v4 =	vadd.f32 v5, v4;
	v5 =	vmul.f32 $1.131370830e+01, v6;
	v1 =	vmul.f32 $1.131370830e+01, v2;
	v2 =	vld [tilespmem:s19+$0xFFFFFF50]  }
0x5d: {  	v27 =	vld [tilespmem:s17+$0x10]  }
0x5e: {  	v28 =	vld [tilespmem:s17+$0xFFFFFF20];
	[tilespmem:s16+$0xFFFFFFC0] =	vst v4;
	v4 =	vadd.f32 v7, v5  }
0x5f: {  	v29 =	vld [tilespmem:s17+$0xA0];
	v0 =	vadd.f32 v0, v1;
	v1 =	vmul.f32 $1.131370830e+01, v8  }
0x60: {  	[tilespmem:s16+$0x40] =	vst v4;
	v4 =	vld [tilespmem:s16+$0xE0]  }
0x61: {  	v7 =	vld [tilespmem:s16+$0xFFFFFF60];
	[tilespmem:s16+$0xD0] =	vst v0;
	v1 =	vadd.f32 v2, v1  }
0x62: {  	v0 =	vld [tilespmem:s19+$0xE0]  }
0x63: {  	v32 =	vld [tilespmem:s17+$0xFFFFFFA0];
	[tilespmem:s16+$0xFFFFFF50] =	vst v1  }
0x64: {  	v9 =	vld [tilespmem:s19+$0xFFFFFF60]  }
0x65: {  	v36 =	vld [tilespmem:s17+$0xB0];
	v1 =	vmul.f32 $1.131370830e+01, v4  }
0x66: {  	v39 =	vld [tilespmem:s17+$0xFFFFFFB0]  }
0x67: {  	v40 =	vld [tilespmem:s17+$0x30];
	v0 =	vadd.f32 v0, v1;
	v1 =	vmul.f32 $1.131370830e+01, v7  }
0x68: {  	v47 =	vld [tilespmem:s17+$0xFFFFFFC0]  }
0x69: {  	v48 =	vld [tilespmem:s17+$0x40];
	v9 =	vadd.f32 v9, v1  }
0x6a: {  	v49 =	vld [tilespmem:s17+$0xFFFFFF50]  }
0x6b: {  	[tilespmem:s16+$0xFFFFFF60] =	vst v9;
	v9 =	vld [tilespmem:s17+$0x80]  }
0x6c: {  	v51 =	vld [tilespmem:s17+$0xD0];
	s18 =	sadd.s32 $0x200, s19  }
0x6d: {  	v11 =	vld [tilespmem:s18+$0x80]  }
0x6e: {  	v54 =	vld [tilespmem:s17+$0x50]  }
0x6f: {  	v57 =	vld [tilespmem:s17+$0xE0]  }
0x70: {  	v14 =	vld [tilespmem:s18+$0xFFFFFF00];
	v9 =	vmul.f32 $1.131370830e+01, v9  }
0x71: {  	v16 =	vld [tilespmem:s18+$0x0]  }
0x72: {  	v15 =	vld [tilespmem:s18+$0xFFFFFF80];
	v9 =	vadd.f32 v11, v9  }
0x73: {  	v12 =	vmul.f32 $1.131370830e+01, v12;
	v11 =	vld [tilespmem:s17+$0x90]  }
0x74: {  	v59 =	vld [tilespmem:s17+$0xFFFFFFE0];
	v13 =	vmul.f32 $1.131370830e+01, v13;
	[tilespmem:s17+$0x80] =	vst v9  }
0x75: {  	v12 =	vadd.f32 v14, v12;
	v9 =	vmul.f32 $1.131370830e+01, v10;
	v10 =	vld [tilespmem:s18+$0x90]  }
0x76: {  	v60 =	vld [tilespmem:s17+$0x60];
	v13 =	vadd.f32 v16, v13  }
0x77: {  	v61 =	vld [tilespmem:s17+$0xFFFFFF70];
	[tilespmem:s17+$0xFFFFFF00] =	vst v12;
	v9 =	vadd.f32 v15, v9  }
0x78: {  	[tilespmem:s17+$0x0] =	vst v13;
	v12 =	vld [tilespmem:s18+$0xFFFFFF10];
	v11 =	vmul.f32 $1.131370830e+01, v11  }
0x79: {  	v30 =	vld [tilespmem:s18+$0x10];
	[tilespmem:s17+$0xFFFFFF80] =	vst v9  }
0x7a: {  	v9 =	vld [tilespmem:s18+$0xFFFFFF90];
	v10 =	vadd.f32 v10, v11  }
0x7b: {  	v3 =	vld [tilespmem:s16+$0xFFFFFFD0]  }
0x7c: {  	v6 =	vld [tilespmem:s16+$0x50];
	v11 =	vmul.f32 $1.131370830e+01, v17;
	[tilespmem:s17+$0x90] =	vst v10  }
0x7d: {  	v10 =	vmul.f32 $1.131370830e+01, v26;
	v31 =	vld [tilespmem:s18+$0xA0]  }
0x7e: {  	v5 =	vld [tilespmem:s19+$0xFFFFFFD0];
	v11 =	vadd.f32 v12, v11  }
0x7f: {  	v8 =	vld [tilespmem:s19+$0x50];
	v15 =	vmul.f32 $1.131370830e+01, v27;
	v9 =	vadd.f32 v9, v10  }
0x80: {  	v10 =	vld [tilespmem:s17+$0x20];
	[tilespmem:s17+$0xFFFFFF10] =	vst v11;
	v11 =	vmul.f32 $1.131370830e+01, v29  }
0x81: {  	v15 =	vadd.f32 v30, v15;
	v33 =	vld [tilespmem:s18+$0xFFFFFF20];
	[tilespmem:s17+$0xFFFFFF90] =	vst v9  }
0x82: {  	v34 =	vld [tilespmem:s18+$0xFFFFFFA0];
	v11 =	vadd.f32 v31, v11  }
0x83: {  	v2 =	vld [tilespmem:s16+$0xFFFFFFE0];
	[tilespmem:s17+$0x10] =	vst v15  }
0x84: {  	v35 =	vmul.f32 $1.131370830e+01, v28;
	v3 =	vmul.f32 $1.131370830e+01, v3;
	v37 =	vld [tilespmem:s18+$0x20];
	[tilespmem:s17+$0xA0] =	vst v11  }
0x85: {  	v11 =	vmul.f32 $1.131370830e+01, v32;
	v38 =	vld [tilespmem:s18+$0xB0]  }
0x86: {  	v5 =	vadd.f32 v5, v3;
	v3 =	vld [tilespmem:s16+$0x60];
	v13 =	vadd.f32 v33, v35  }
0x87: {  	v9 =	vld [tilespmem:s17+$0xFFFFFF30];
	v10 =	vmul.f32 $1.131370830e+01, v10;
	v11 =	vadd.f32 v34, v11  }
0x88: {  	v41 =	vmul.f32 $1.131370830e+01, v36;
	v4 =	vld [tilespmem:s16+$0xFFFFFF70];
	[tilespmem:s17+$0xFFFFFF20] =	vst v13  }
0x89: {  	v10 =	vadd.f32 v37, v10;
	v42 =	vld [tilespmem:s18+$0xFFFFFF30];
	[tilespmem:s17+$0xFFFFFFA0] =	vst v11  }
0x8a: {  	v43 =	vld [tilespmem:s18+$0xFFFFFFB0];
	v12 =	vadd.f32 v38, v41  }
0x8b: {  	[tilespmem:s17+$0x20] =	vst v10;
	v10 =	vld [tilespmem:s17+$0xC0]  }
0x8c: {  	v6 =	vmul.f32 $1.131370830e+01, v6;
	v9 =	vmul.f32 $1.131370830e+01, v9;
	v44 =	vld [tilespmem:s18+$0x30];
	[tilespmem:s17+$0xB0] =	vst v12  }
0x8d: {  	v45 =	vmul.f32 $1.131370830e+01, v39;
	[tilespmem:s16+$0xFFFFFFD0] =	vst v5;
	v46 =	vld [tilespmem:s18+$0xC0]  }
0x8e: {  	v5 =	vadd.f32 v8, v6;
	v6 =	vld [tilespmem:s19+$0xFFFFFFE0];
	v9 =	vadd.f32 v42, v9  }
0x8f: {  	v17 =	vmul.f32 $1.131370830e+01, v40;
	v11 =	vld [tilespmem:s17+$0xFFFFFF40];
	v12 =	vadd.f32 v43, v45  }
0x90: {  	v8 =	vld [tilespmem:s16+$0xF0];
	[tilespmem:s17+$0xFFFFFF30] =	vst v9;
	v9 =	vmul.f32 $1.131370830e+01, v10  }
0x91: {  	v13 =	vadd.f32 v44, v17;
	v10 =	vld [tilespmem:s18+$0xFFFFFF40];
	[tilespmem:s17+$0xFFFFFFB0] =	vst v12  }
0x92: {  	[tilespmem:s16+$0x50] =	vst v5;
	v50 =	vld [tilespmem:s18+$0xFFFFFFC0];
	v9 =	vadd.f32 v46, v9  }
0x93: {  	v7 =	vld [tilespmem:s19+$0x60];
	[tilespmem:s17+$0x30] =	vst v13  }
0x94: {  	v11 =	vmul.f32 $1.131370830e+01, v11;
	v52 =	vld [tilespmem:s18+$0x40];
	[tilespmem:s17+$0xC0] =	vst v9  }
0x95: {  	v9 =	vmul.f32 $1.131370830e+01, v47;
	v53 =	vld [tilespmem:s18+$0xD0]  }
0x96: {  	v1 =	vld [tilespmem:s16+$0xFFFFFFF0];
	v10 =	vadd.f32 v10, v11  }
0x97: {  	v16 =	vmul.f32 $1.131370830e+01, v48;
	[tilespmem:s16+$0xE0] =	vst v0;
	v0 =	vld [tilespmem:s16+$0x70];
	v9 =	vadd.f32 v50, v9  }
0x98: {  	v11 =	vld [tilespmem:s17+$0xFFFFFFD0];
	[tilespmem:s17+$0xFFFFFF40] =	vst v10;
	v10 =	vmul.f32 $1.131370830e+01, v51  }
0x99: {  	v14 =	vadd.f32 v52, v16;
	v55 =	vld [tilespmem:s18+$0xFFFFFF50];
	[tilespmem:s17+$0xFFFFFFC0] =	vst v9  }
0x9a: {  	v56 =	vld [tilespmem:s18+$0xFFFFFFD0];
	v10 =	vadd.f32 v53, v10  }
0x9b: {  	v2 =	vmul.f32 $1.131370830e+01, v2;
	v5 =	vld [tilespmem:s19+$0xF0];
	[tilespmem:s17+$0x40] =	vst v14  }
0x9c: {  	v12 =	vmul.f32 $1.131370830e+01, v49;
	v58 =	vld [tilespmem:s18+$0x50];
	[tilespmem:s17+$0xD0] =	vst v10  }
0x9d: {  	v2 =	vadd.f32 v6, v2;
	v10 =	vmul.f32 $1.131370830e+01, v11;
	v11 =	vld [tilespmem:s18+$0xE0]  }
0x9e: {  	v6 =	vld [tilespmem:s19+$0xFFFFFF70];
	v12 =	vadd.f32 v55, v12  }
0x9f: {  	[tilespmem:s16+$0xFFFFFFE0] =	vst v2;
	v17 =	vmul.f32 $1.131370830e+01, v54;
	v9 =	vld [tilespmem:s17+$0xFFFFFF60];
	v10 =	vadd.f32 v56, v10  }
0xa0: {  	v2 =	vld [tilespmem:s19+$0xFFFFFFF0];
	v14 =	vmul.f32 $1.131370830e+01, v57;
	[tilespmem:s17+$0xFFFFFF50] =	vst v12  }
0xa1: {  	v3 =	vmul.f32 $1.131370830e+01, v3;
	v62 =	vld [tilespmem:s18+$0xFFFFFF60];
	[tilespmem:s17+$0xFFFFFFD0] =	vst v10;
	v10 =	vadd.f32 v58, v17  }
0xa2: {  	v8 =	vmul.f32 $1.131370830e+01, v8;
	v63 =	vld [tilespmem:s18+$0xFFFFFFE0];
	v11 =	vadd.f32 v11, v14  }
0xa3: {  	v4 =	vmul.f32 $1.131370830e+01, v4;
	v3 =	vadd.f32 v7, v3;
	v7 =	vld [tilespmem:s17+$0xF0];
	[tilespmem:s17+$0x50] =	vst v10  }
0xa4: {  	v5 =	vadd.f32 v5, v8;
	v8 =	vmul.f32 $1.131370830e+01, v9;
	v9 =	vld [tilespmem:s18+$0x60];
	[tilespmem:s17+$0xE0] =	vst v11  }
0xa5: {  	[tilespmem:s16+$0x60] =	vst v3;
	v3 =	vadd.f32 v6, v4;
	v6 =	vmul.f32 $1.131370830e+01, v59;
	v10 =	vld [tilespmem:s18+$0xF0]  }
0xa6: {  	v1 =	vmul.f32 $1.131370830e+01, v1;
	[tilespmem:s16+$0xF0] =	vst v5;
	v4 =	vld [tilespmem:s17+$0xFFFFFFF0];
	v5 =	vadd.f32 v62, v8  }
0xa7: {  	[tilespmem:s16+$0xFFFFFF70] =	vst v3;
	v3 =	vld [tilespmem:s17+$0x70];
	v8 =	vmul.f32 $1.131370830e+01, v60;
	v6 =	vadd.f32 v63, v6  }
0xa8: {  	v1 =	vadd.f32 v2, v1;
	v7 =	vmul.f32 $1.131370830e+01, v7;
	v2 =	vld [tilespmem:s19+$0x70];
	[tilespmem:s17+$0xFFFFFF60] =	vst v5  }
0xa9: {  	v5 =	vld [tilespmem:s18+$0xFFFFFF70];
	[tilespmem:s17+$0xFFFFFFE0] =	vst v6;
	v8 =	vadd.f32 v9, v8  }
0xaa: {  	s21 =	sadd.s32 $0x200, s17;
	s20 =	smov.u32 s18;
	v0 =	vmul.f32 $1.131370830e+01, v0;
	s19 =	simm.s32 $0x4;
	[tilespmem:s16+$0xFFFFFFF0] =	vst v1;
	v1 =	vmul.f32 $1.131370830e+01, v61;
	v6 =	vld [tilespmem:s18+$0xFFFFFFF0];
	v7 =	vadd.f32 v10, v7  }
.LBB2_3:
0xab: {  	v9 =	vld [tilespmem:s21+$0x80];
	s19 =	sadd.s32 $0x4, s19;
	v4 =	vmul.f32 $1.131370830e+01, v4;
	[tilespmem:s17+$0x60] =	vst v8  }
0xac: {  	s18 =	sadd.s32 $0x200, s18;
	v8 =	vld [tilespmem:s21+$0xFFFFFF80];
	p0 =	slt.u32 s19, $0x24;
	v3 =	vmul.f32 $1.131370830e+01, v3;
	[tilespmem:s17+$0xF0] =	vst v7  }
0xad: {  	v7 =	vld [tilespmem:s18+$0x80];
	v2 =	vadd.f32 v2, v0  }
0xae: {  	v10 =	vld [tilespmem:s21+$0x0];
	v1 =	vadd.f32 v5, v1;
	v0 =	vmov v3  }
0xaf: {  	v3 =	vld [tilespmem:s21+$0xFFFFFF00];
	v4 =	vadd.f32 v6, v4;
	[tilespmem:s16+$0x70] =	vst v2;
	s16 =	smov.u32 s17;
	s17 =	smov.u32 s21  }
0xb0: {  	v2 =	vld [tilespmem:s18+$0xFFFFFF00];
	v5 =	vmul.f32 $1.131370830e+01, v9;
	[tilespmem:s16+$0xFFFFFF70] =	vst v1  }
0xb1: {  	v1 =	vmul.f32 $1.131370830e+01, v8;
	v6 =	vld [tilespmem:s18+$0xFFFFFF80];
	[tilespmem:s16+$0xFFFFFFF0] =	vst v4  }
0xb2: {  	v4 =	vld [tilespmem:s18+$0x0];
	v5 =	vadd.f32 v7, v5  }
0xb3: {  	v7 =	vmul.f32 $1.131370830e+01, v10;
	v8 =	vld [tilespmem:s21+$0x90]  }
0xb4: {  	v3 =	vmul.f32 $1.131370830e+01, v3;
	v9 =	vld [tilespmem:s21+$0xFFFFFF10];
	[tilespmem:s21+$0x80] =	vst v5  }
0xb5: {  	v5 =	vld [tilespmem:s18+$0x90]  }
0xb6: {  	v2 =	vadd.f32 v2, v3;
	v1 =	vadd.f32 v6, v1;
	v3 =	vld [tilespmem:s21+$0xFFFFFF90]  }
0xb7: {  	v4 =	vadd.f32 v4, v7;
	v6 =	vld [tilespmem:s21+$0x10]  }
0xb8: {  	[tilespmem:s21+$0xFFFFFF00] =	vst v2;
	v2 =	vld [tilespmem:s21+$0xFFFFFF20];
	v7 =	vmul.f32 $1.131370830e+01, v8  }
0xb9: {  	v8 =	vmul.f32 $1.131370830e+01, v9;
	v9 =	vld [tilespmem:s18+$0xFFFFFF10];
	[tilespmem:s21+$0xFFFFFF80] =	vst v1  }
0xba: {  	v1 =	vld [tilespmem:s18+$0xFFFFFF90];
	[tilespmem:s21+$0x0] =	vst v4;
	v4 =	vadd.f32 v5, v7  }
0xbb: {  	v3 =	vmul.f32 $1.131370830e+01, v3;
	v5 =	vld [tilespmem:s21+$0xA0]  }
0xbc: {  	v6 =	vmul.f32 $1.131370830e+01, v6;
	v7 =	vld [tilespmem:s18+$0x10];
	[tilespmem:s21+$0x90] =	vst v4  }
0xbd: {  	v2 =	vmul.f32 $1.131370830e+01, v2;
	v4 =	vld [tilespmem:s18+$0xA0]  }
0xbe: {  	v8 =	vadd.f32 v9, v8;
	v9 =	vld [tilespmem:s21+$0xFFFFFFA0]  }
0xbf: {  	v1 =	vadd.f32 v1, v3;
	v3 =	vld [tilespmem:s21+$0x20]  }
0xc0: {  	[tilespmem:s21+$0xFFFFFF10] =	vst v8;
	v8 =	vld [tilespmem:s21+$0xFFFFFF30];
	v5 =	vmul.f32 $1.131370830e+01, v5  }
0xc1: {  	v10 =	vld [tilespmem:s18+$0xFFFFFF20];
	[tilespmem:s21+$0xFFFFFF90] =	vst v1;
	v1 =	vadd.f32 v7, v6  }
0xc2: {  	v6 =	vld [tilespmem:s18+$0xFFFFFFA0];
	v4 =	vadd.f32 v4, v5  }
0xc3: {  	v5 =	vmul.f32 $1.131370830e+01, v9;
	[tilespmem:s21+$0x10] =	vst v1;
	v1 =	vld [tilespmem:s21+$0xB0]  }
0xc4: {  	v3 =	vmul.f32 $1.131370830e+01, v3;
	v7 =	vld [tilespmem:s18+$0x20];
	[tilespmem:s21+$0xA0] =	vst v4  }
0xc5: {  	v4 =	vmul.f32 $1.131370830e+01, v8;
	v8 =	vld [tilespmem:s18+$0xB0]  }
0xc6: {  	v2 =	vadd.f32 v10, v2;
	v9 =	vld [tilespmem:s21+$0xFFFFFFB0]  }
0xc7: {  	v5 =	vadd.f32 v6, v5;
	v6 =	vld [tilespmem:s21+$0x30]  }
0xc8: {  	[tilespmem:s21+$0xFFFFFF20] =	vst v2;
	v2 =	vld [tilespmem:s21+$0xFFFFFF40];
	v1 =	vmul.f32 $1.131370830e+01, v1  }
0xc9: {  	v10 =	vld [tilespmem:s18+$0xFFFFFF30];
	[tilespmem:s21+$0xFFFFFFA0] =	vst v5;
	v3 =	vadd.f32 v7, v3  }
0xca: {  	v5 =	vld [tilespmem:s18+$0xFFFFFFB0];
	v1 =	vadd.f32 v8, v1  }
0xcb: {  	v7 =	vmul.f32 $1.131370830e+01, v9;
	[tilespmem:s21+$0x20] =	vst v3;
	v3 =	vld [tilespmem:s21+$0xC0]  }
0xcc: {  	v6 =	vmul.f32 $1.131370830e+01, v6;
	v8 =	vld [tilespmem:s18+$0x30];
	[tilespmem:s21+$0xB0] =	vst v1  }
0xcd: {  	v1 =	vmul.f32 $1.131370830e+01, v2;
	v2 =	vld [tilespmem:s18+$0xC0]  }
0xce: {  	v4 =	vadd.f32 v10, v4;
	v9 =	vld [tilespmem:s21+$0xFFFFFFC0]  }
0xcf: {  	v5 =	vadd.f32 v5, v7;
	v7 =	vld [tilespmem:s21+$0x40]  }
0xd0: {  	[tilespmem:s21+$0xFFFFFF30] =	vst v4;
	v4 =	vld [tilespmem:s21+$0xFFFFFF50];
	v3 =	vmul.f32 $1.131370830e+01, v3  }
0xd1: {  	v10 =	vld [tilespmem:s18+$0xFFFFFF40];
	[tilespmem:s21+$0xFFFFFFB0] =	vst v5;
	v5 =	vadd.f32 v8, v6  }
0xd2: {  	v6 =	vld [tilespmem:s18+$0xFFFFFFC0];
	v2 =	vadd.f32 v2, v3  }
0xd3: {  	v3 =	vmul.f32 $1.131370830e+01, v9;
	[tilespmem:s21+$0x30] =	vst v5;
	v5 =	vld [tilespmem:s21+$0xD0]  }
0xd4: {  	v7 =	vmul.f32 $1.131370830e+01, v7;
	v8 =	vld [tilespmem:s18+$0x40];
	[tilespmem:s21+$0xC0] =	vst v2  }
0xd5: {  	v2 =	vmul.f32 $1.131370830e+01, v4;
	v4 =	vld [tilespmem:s18+$0xD0]  }
0xd6: {  	v1 =	vadd.f32 v10, v1;
	v9 =	vld [tilespmem:s21+$0xFFFFFFD0]  }
0xd7: {  	v3 =	vadd.f32 v6, v3;
	v6 =	vld [tilespmem:s21+$0x50]  }
0xd8: {  	[tilespmem:s21+$0xFFFFFF40] =	vst v1;
	v1 =	vld [tilespmem:s21+$0xFFFFFF60];
	v5 =	vmul.f32 $1.131370830e+01, v5  }
0xd9: {  	v10 =	vld [tilespmem:s18+$0xFFFFFF50];
	[tilespmem:s21+$0xFFFFFFC0] =	vst v3;
	v3 =	vadd.f32 v8, v7  }
0xda: {  	v7 =	vld [tilespmem:s18+$0xFFFFFFD0];
	v4 =	vadd.f32 v4, v5  }
0xdb: {  	v5 =	vmul.f32 $1.131370830e+01, v9;
	[tilespmem:s21+$0x40] =	vst v3;
	v3 =	vld [tilespmem:s21+$0xE0]  }
0xdc: {  	v6 =	vmul.f32 $1.131370830e+01, v6;
	v8 =	vld [tilespmem:s18+$0x50];
	[tilespmem:s21+$0xD0] =	vst v4  }
0xdd: {  	v4 =	vmul.f32 $1.131370830e+01, v1;
	v1 =	vld [tilespmem:s18+$0xE0]  }
0xde: {  	v2 =	vadd.f32 v10, v2;
	v9 =	vld [tilespmem:s21+$0xFFFFFFE0]  }
0xdf: {  	v5 =	vadd.f32 v7, v5;
	v7 =	vld [tilespmem:s21+$0x60]  }
0xe0: {  	[tilespmem:s21+$0xFFFFFF50] =	vst v2;
	v2 =	vld [tilespmem:s21+$0xFFFFFF70];
	v3 =	vmul.f32 $1.131370830e+01, v3  }
0xe1: {  	v10 =	vld [tilespmem:s18+$0xFFFFFF60];
	[tilespmem:s21+$0xFFFFFFD0] =	vst v5;
	v5 =	vadd.f32 v8, v6  }
0xe2: {  	v6 =	vld [tilespmem:s18+$0xFFFFFFE0];
	v1 =	vadd.f32 v1, v3  }
0xe3: {  	v3 =	vmul.f32 $1.131370830e+01, v9;
	[tilespmem:s21+$0x50] =	vst v5;
	v5 =	vld [tilespmem:s21+$0xF0]  }
0xe4: {  	v7 =	vmul.f32 $1.131370830e+01, v7;
	v8 =	vld [tilespmem:s18+$0x60];
	[tilespmem:s21+$0xE0] =	vst v1  }
0xe5: {  	v1 =	vmul.f32 $1.131370830e+01, v2;
	v9 =	vld [tilespmem:s18+$0xF0]  }
.Ltmp0:
0xe6: {  	v2 =	vadd.f32 v10, v4;
	v4 =	vld [tilespmem:s21+$0xFFFFFFF0];
	(pc) =	sbr.rel @p0 .LBB2_3-.Ltmp0, $4  }
0xe7: {  	v6 =	vadd.f32 v6, v3;
	v3 =	vld [tilespmem:s21+$0x70]  }
0xe8: {  	[tilespmem:s21+$0xFFFFFF60] =	vst v2;
	v10 =	vmul.f32 $1.131370830e+01, v5;
	v2 =	vld [tilespmem:s20+$0x70];
	s20 =	smov.u32 s18  }
0xe9: {  	v5 =	vld [tilespmem:s18+$0xFFFFFF70];
	[tilespmem:s21+$0xFFFFFFE0] =	vst v6;
	v8 =	vadd.f32 v8, v7  }
0xea: {  	s21 =	sadd.s32 $0x200, s21;
	v6 =	vld [tilespmem:s18+$0xFFFFFFF0];
	v7 =	vadd.f32 v9, v10  }
0xeb: {  	[tilespmem:s17+$0x60] =	vst v8  }
0xec: {  	v8 =	vld [tilespmem:s20+$0x70];
	_ =	sdelay $0x1  }
0xed: {  	v4 =	vmul.f32 $1.131370830e+01, v4;
	v0 =	vadd.f32 v2, v0  }
0xee: {  	s18 =	smul.u32 $0x28, s14;
	v61 =	vmul.f32 $1.131370830e+01, v3;
	[tilespmem:s17+$0xF0] =	vst v7;
	v1 =	vadd.f32 v5, v1  }
0xef: {  	s19 =	smul.u32 $0x5000, s15;
	v62 =	vadd.f32 v6, v4;
	[tilespmem:s16+$0x70] =	vst v0  }
0xf0: {  	p0 =	sgt.u32 s14, $0x98;
	s20 =	sadd.s32 $0x9, s15;
	s18 =	sadd.s32 s5, s18;
	[tilespmem:s17+$0xFFFFFF70] =	vst v1;
	v63 =	vadd.f32 v8, v61  }
0xf1: {  	s15 =	sadd.s32 $0x7, s14;
	s18 =	sshll.u32 s18, $0x4;
	s16 =	sshrl.u32 s19, $0x2;
	[tilespmem:s17+$0xFFFFFFF0] =	vst v62  }
0xf2: {  	p1 =	seq.s32 @!p0 s14, $0x0;
	s21 =	sadd.s32 s4, s18;
	s16 =	sadd.s32 $0x7D00, s16;
	[tilespmem:s17+$0x70] =	vst v63  }
0xf3: {  	[hbm4b:s21+s6] =	stream.linear.scatter [tilespmem:s16], [sflag:s20], $0x1400, $0x38;
	[tilespmem:$0x11D00] =	vst v63  }
0xf4: {  	p1 =	por p1, p0;
	s16 =	sand.u32 @!p0 $0x7, s15;
	s15 =	smul.u32 @!p0 $0xA0, s15  }
0xf5: {  	s17 =	sadd.s32 @!p1 $0x9, s16;
	s18 =	smul.u32 @!p0 $0x5000, s16  }
0xf6: {  	s14 =	sadd.s32 $0x1, s14;
	s16 =	sadd.s32 @!p0 $0x1, s16;
	_ =	swait.ge @!p1 [sflag:s17], $0x1400  }
0xf7: {  	s15 =	sshra.s32 @!p0 s15, $0x2;
	[sflag:s17] =	ssyncset.done @!p1 $0x0;
	s18 =	sshrl.u32 @!p0 s18, $0x2  }
0xf8: {  	[sflag:s17] =	ssyncadd.s32 @!p1 $0xFFFFEC00;
	s17 =	sadd.s32 @!p0 $0x7D00, s18;
	s18 =	simm.s32 @!p0 $0x28  }
0xf9: {  	[tilespmem:s17], [sflag:s16] =	stream.indirect.gather @!p0 [hbm4b:s1+s18], $0x80, s15, s18, $0xb8;
	[tilespmem:$0x11D00] =	vst v63  }
0xfa: {  	p0 =	sne.s32 s14, $0xA0  }
.Ltmp1:
0xfb: {  	_ = 	snop;
	(pc) =	sbr.rel @p0 .LBB2_2-.Ltmp1, $2  }
0xfc: {  	_ =	sdelay $0x2  }
0xfd: {  	s13 =	sadd.s32 $0x28, s13;
	s12 =	sadd.s32 $0x1, s12;
	s9 =	sadd.s32 $0x1, s9  }
0xfe: {  	_ =	swait.ge [sflag:s25], $0x1400  }
0xff: {  	[sflag:s25] =	ssyncset.done $0x0  }
0x100: {  	[sflag:s25] =	ssyncadd.s32 $0xFFFFEC00  }
0x101: {  	_ =	swait.ge [sflag:s26], $0x1400  }
0x102: {  	[sflag:s26] =	ssyncset.done $0x0  }
0x103: {  	[sflag:s26] =	ssyncadd.s32 $0xFFFFEC00  }
0x104: {  	_ =	swait.ge [sflag:s28], $0x1400  }
0x105: {  	[sflag:s28] =	ssyncset.done $0x0  }
0x106: {  	[sflag:s28] =	ssyncadd.s32 $0xFFFFEC00  }
0x107: {  	_ =	swait.ge [sflag:s29], $0x1400  }
0x108: {  	[sflag:s29] =	ssyncset.done $0x0  }
0x109: {  	[sflag:s29] =	ssyncadd.s32 $0xFFFFEC00  }
0x10a: {  	_ =	swait.ge [sflag:s30], $0x1400  }
0x10b: {  	[sflag:s30] =	ssyncset.done $0x0  }
0x10c: {  	[sflag:s30] =	ssyncadd.s32 $0xFFFFEC00  }
0x10d: {  	_ =	swait.ge [sflag:s31], $0x1400  }
0x10e: {  	[sflag:s31] =	ssyncset.done $0x0  }
0x10f: {  	s3 =	sadd.s32 $0x1, s3;
	[sflag:s31] =	ssyncadd.s32 $0xFFFFEC00  }
0x110: {  	p0 =	sne.s32 s3, s8;
	_ =	swait.ge [sflag:s2], $0x1400  }
.Ltmp2:
0x111: {  	[sflag:s2] =	ssyncset.done $0x0;
	(pc) =	sbr.rel @p0 .LBB2_1-.Ltmp2, $4  }
0x112: {  	[sflag:s2] =	ssyncadd.s32 $0xFFFFEC00  }
0x113: {  	_ =	swait.ge [sflag:s0], $0x1400  }
0x114: {  	[sflag:s0] =	ssyncset.done $0x0  }
0x115: {  	[sflag:s0] =	ssyncadd.s32 $0xFFFFEC00  }
0x116: {  	_ =	sfence.sel $0x180000  }
0x117: {  	[bflag:$0x0] =	sbarrier.arrive $0xFFFF  }
0x118: {  	_ =	strace $0x90000047  }
0x119: {  	s0 =	stileid.u32;
	[bflag:$0x2] =	sbarrier.arrive $0xFFFF  }
0x11a: {  	p0 =	sne.s32 s0, $0x0;
	s0 =	rddreg [dreg:$0x4]  }
0x11b: {  	s0 =	sadd.s32 @!p0 $0x100000, s0  }
0x11c: {  	[sflag:s0] =	ssyncadd.tile.s32 @!p0 $0x1;
	_ =	shalt  }
.Lfunc_end2:
_tile_overlayer_lowered:
.L_overlay_start_2:
0x11d: {  	(tag) =	ssettag $0x2  }
0x11e: {  	s0 =	rddreg [dreg:$0x0];
	s2 =	stileid.u32  }
0x11f: {  	s1 =	rddreg [dreg:$0x1];
	p0 =	sne.s32 s2, $0x0  }
0x120: {  	s3 =	rddreg [dreg:$0x2];
	[bflag:$0x3] =	sbarrier.arrive $0xFFFF;
	s2 =	simm.s32 @!p0 $0x1C12  }
0x121: {  	[timem:s3], [sflag:s2] =	dma.local @!p0 [hbm:s0], s1  }
0x122: {  	s0 =	simm.s32 @!p0 $0x12  }
0x123: {  	_ =	swait.ge @!p0 [sflag:s0], s1  }
0x124: {  	s1 =	ssub.s32 @!p0 $0x0, s1;
	[sflag:s0] =	ssyncset.done @!p0 $0x0  }
0x125: {  	[sflag:s0] =	ssyncadd.s32 @!p0 s1  }
0x126: {  	[bflag:$0x3] =	sbarrier.arrive $0xFFFF  }
0x127: {  	_ =	shalt  }

</sc_bundles>
